<compile_context>
chip_gen: v7x
topology: tpu7x:2x2x1
jax: 0.10.2.dev20260603
libtpu: 0.0.44.dev20260713+nightly
codegen_flags: <defaults>
</compile_context>

<pallas_src>
import functools

import jax
import jax.numpy as jnp
from jax import lax
from jax.experimental import pallas as pl
from jax.experimental.pallas import tpu as pltpu
from jax.experimental.pallas import tpu_sc as plsc

_VOCAB = 100000
_BATCH = 16384
_HIST = 200
_TOTAL = _BATCH * _HIST

_NC = 2
_NS = 16
_NW = _NC * _NS
_L = 16

_VPAD = 100352
_ROWS_W = _BATCH // _NW
_CROWS = 32
_NCHUNK = _ROWS_W // _CROWS
_NFULL = _HIST // _L
_TAIL = _HIST - _NFULL * _L

_mesh = plsc.VectorSubcoreMesh(
    core_axis_name="c", subcore_axis_name="s", num_cores=_NC, num_subcores=_NS
)


@functools.partial(
    pl.kernel,
    out_type=jax.ShapeDtypeStruct((_NW * _VPAD,), jnp.int32),
    mesh=_mesh,
    scratch_types=[
        pltpu.VMEM((_VPAD,), jnp.int32),
        pltpu.VMEM((_CROWS, _HIST), jnp.int32),
        pltpu.VMEM((_CROWS, _HIST), jnp.int32),
        pltpu.VMEM((_CROWS, _HIST), jnp.int32),
        pltpu.SemaphoreType.DMA,
        pltpu.SemaphoreType.DMA,
        pltpu.SemaphoreType.DMA,
    ],
    compiler_params=pltpu.CompilerParams(needs_layout_passes=False),
)
def _sc_hist(ids_hbm, out_hbm, hist, buf0, buf1, buf2, sem0, sem1, sem2):
    wid = lax.axis_index("s") * _NC + lax.axis_index("c")
    bufs = (buf0, buf1, buf2)
    sems = (sem0, sem1, sem2)

    zero = jnp.zeros((_L,), jnp.int32)
    row0 = wid * _ROWS_W
    tail_valid = lax.iota(jnp.int32, _L) >= (_L - _TAIL)

    ones = jnp.ones((_L,), jnp.int32)

    def _bin_chunk(cur):
        @plsc.parallel_loop(0, _CROWS, step=1, unroll=2)
        def _scatter_body(j):
            for k in range(_NFULL):
                ids = cur[j, pl.ds(k * _L, _L)]
                plsc.addupdate_scatter(hist, [ids], ones)
            ids = cur[j, pl.ds(_HIST - _L, _L)]
            plsc.addupdate_scatter(hist, [ids], ones, mask=tail_valid)

    _NBUF = 3

    def _chunk_copy(g, buf, sem):
        return pltpu.async_copy(
            ids_hbm.at[pl.ds(row0 + g * _CROWS, _CROWS), :], buf, sem
        )

    def _wait_chunk(p):
        pltpu.make_async_copy(
            ids_hbm.at[pl.ds(row0, _CROWS), :], bufs[p], sems[p]
        ).wait()

    for g in range(_NBUF - 1):
        _chunk_copy(g, bufs[g], sems[g])

    @plsc.parallel_loop(0, _VPAD, step=_L, unroll=8)
    def _zero_body(i):
        hist[pl.ds(i, _L)] = zero

    _FULL = _NCHUNK // _NBUF

    def _ring_body(h, hi):
        for p in range(_NBUF):
            g = _NBUF * h + p
            nxt = g + _NBUF - 1

            @pl.when(nxt < _NCHUNK)
            def _():
                _chunk_copy(nxt, bufs[(p + _NBUF - 1) % _NBUF],
                            sems[(p + _NBUF - 1) % _NBUF])

            _wait_chunk(p)
            _bin_chunk(bufs[p])
        return 0

    lax.fori_loop(0, _FULL, _ring_body, 0)
    for g in range(_FULL * _NBUF, _NCHUNK):
        p = g % _NBUF
        _wait_chunk(p)
        _bin_chunk(bufs[p])

    pltpu.sync_copy(hist, out_hbm.at[pl.ds(wid * _VPAD, _VPAD)])


_VROWS = _VPAD // 128
_GRID = 2
_VBLK = _VROWS // _GRID


def _tc_entropy_body(parts_ref, out_ref, acc_ref):
    g = pl.program_id(0)

    @pl.when(g == 0)
    def _():
        acc_ref[0] = 0.0

    counts = jnp.sum(parts_ref[...], axis=0)
    cf = counts.astype(jnp.float32)
    p = cf * (1.0 / float(_TOTAL))
    safe_p = jnp.where(p > 0, p, 1.0)
    plogp = jnp.where(p > 0, p * jnp.log(safe_p), 0.0)
    acc_ref[0] += jnp.sum(plogp)

    @pl.when(g == _GRID - 1)
    def _():
        out_ref[0, 0] = -acc_ref[0]


_tc_entropy = pl.pallas_call(
    _tc_entropy_body,
    grid=(_GRID,),
    in_specs=[pl.BlockSpec((_NW, _VBLK, 128), lambda g: (0, g, 0))],
    out_specs=pl.BlockSpec(memory_space=pltpu.SMEM),
    out_shape=jax.ShapeDtypeStruct((1, 1), jnp.float32),
    scratch_shapes=[pltpu.SMEM((1,), jnp.float32)],
)


def kernel(recommendations):
    partials = _sc_hist(recommendations)
    ent = _tc_entropy(partials.reshape(_NW, _VPAD // 128, 128))
    return ent[0, 0]

# --- scband reference (transcript-rebuilt; emitter-appended) ---
"""Pipeline reference for scband-entropy-diversity-score-19378892440032 (READ-ONLY COPY).

The authoritative reference and input builder live on the scoring server;
editing this copy changes nothing except your own understanding.
"""

import jax, jax.numpy as jnp
import numpy as np

VOCAB = 100000
BATCH = 16384
HIST = 200


def setup_inputs(seed: int = 0) -> dict:
    key = jax.random.key(seed)
    recommendations = jax.random.randint(key, (BATCH, HIST), 0, VOCAB, dtype=jnp.int32)
    return {"recommendations": recommendations}


def reference(recommendations) -> jnp.ndarray:
    # torch.unique(return_counts=True) followed by entropy over the empirical
    # distribution. In jax we realize unique-counts as a fixed-length bincount
    # (length=VOCAB for jit-ability); absent ids have count 0 and contribute
    # 0 * log(0) -> 0, matching the torch semantics where they are simply not
    # present in the unique output.
    flat = recommendations.reshape(-1)
    counts = jnp.bincount(flat, length=VOCAB)
    total = counts.sum()
    p = counts.astype(jnp.float32) / total.astype(jnp.float32)
    safe_p = jnp.where(p > 0, p, 1.0)
    plogp = jnp.where(p > 0, p * jnp.log(safe_p), 0.0)
    return -jnp.sum(plogp)

if __name__ == "__main__":
    import jax
    _d = setup_inputs()
    print(jax.jit(kernel)(*tuple(_d.values())))

</pallas_src>

<mosaic_0001>
#map = affine_map<(d0, d1) -> (0, 0)>
#map1 = affine_map<(d0, d1) -> (0)>
module attributes {stable_mosaic.version = 14 : i64} {
  func.func @_sc_hist(%arg0: i32, %arg1: i32, %arg2: memref<16384x200xi32, #tpu.memory_space<hbm>>, %arg3: memref<3211264xi32, #tpu.memory_space<hbm>>, %arg4: memref<100352xi32, #tpu.memory_space<vmem>>, %arg5: memref<32x200xi32, #tpu.memory_space<vmem>>, %arg6: memref<32x200xi32, #tpu.memory_space<vmem>>, %arg7: memref<32x200xi32, #tpu.memory_space<vmem>>, %arg8: memref<!tpu.dma_semaphore, #tpu.memory_space<semaphore_mem>>, %arg9: memref<!tpu.dma_semaphore, #tpu.memory_space<semaphore_mem>>, %arg10: memref<!tpu.dma_semaphore, #tpu.memory_space<semaphore_mem>>) attributes {dimension_semantics = [#tpu.dimension_semantics<core_parallel>, #tpu.dimension_semantics<subcore_parallel>], iteration_bounds = array<i64: 2, 16>, scalar_prefetch = 0 : i64, scratch_operands = 7 : i64, tpu.core_type = #tpu.core_type<sc_vector_subcore>, window_params = [{transform_indices = #map}, {transform_indices = #map1}]} {
    %mul3A = arith.constant 2 : i32
    %mul3A_0 = arith.muli %arg1, %mul3A : i32
    %add3A = arith.addi %mul3A_0, %arg0 : i32
    %broadcast_in_dim3A = arith.constant 0 : i32
    %broadcast_in_dim3A_1 = vector.broadcast %broadcast_in_dim3A : i32 to vector<16xi32>
    %mul3A_2 = arith.constant 512 : i32
    %mul3A_3 = arith.muli %add3A, %mul3A_2 : i32
    %iota3A = tpu.iota {dimensions = array<i32: 0>} : vector<16xi32>
    %ge3A = arith.constant 8 : i32
    %ge3A_4 = vector.broadcast %ge3A : i32 to vector<16xi32>
    %ge3A_5 = arith.cmpi sge, %iota3A, %ge3A_4 : vector<16xi32>
    %broadcast_in_dim3A_6 = arith.constant 1 : i32
    %broadcast_in_dim3A_7 = vector.broadcast %broadcast_in_dim3A_6 : i32 to vector<16xi32>
    %add3A_8 = arith.constant 0 : i32
    %add3A_9 = arith.addi %mul3A_3, %add3A_8 : i32
    %dma_start3A = arith.constant 0 : i32
    %dma_start3A_10 = tpu.memref_slice %arg2[%add3A_9, %dma_start3A] : memref<16384x200xi32, #tpu.memory_space<hbm>> -> memref<32x200xi32, #tpu.memory_space<hbm>>
    %dma_start3A_11 = arith.constant 0 : i32
    %dma_start3A_12 = tpu.memref_slice %arg2[%add3A_9, %dma_start3A_11] : memref<16384x200xi32, #tpu.memory_space<hbm>> -> memref<32x200xi32, #tpu.memory_space<hbm>>
    tpu.enqueue_dma source(%dma_start3A_12 : memref<32x200xi32, #tpu.memory_space<hbm>>) target(%arg5 : memref<32x200xi32, #tpu.memory_space<vmem>>) target_semaphore(%arg8 : memref<!tpu.dma_semaphore, #tpu.memory_space<semaphore_mem>>)
    %add3A_13 = arith.constant 32 : i32
    %add3A_14 = arith.addi %mul3A_3, %add3A_13 : i32
    %dma_start3A_15 = arith.constant 0 : i32
    %dma_start3A_16 = tpu.memref_slice %arg2[%add3A_14, %dma_start3A_15] : memref<16384x200xi32, #tpu.memory_space<hbm>> -> memref<32x200xi32, #tpu.memory_space<hbm>>
    %dma_start3A_17 = arith.constant 0 : i32
    %dma_start3A_18 = tpu.memref_slice %arg2[%add3A_14, %dma_start3A_17] : memref<16384x200xi32, #tpu.memory_space<hbm>> -> memref<32x200xi32, #tpu.memory_space<hbm>>
    tpu.enqueue_dma source(%dma_start3A_18 : memref<32x200xi32, #tpu.memory_space<hbm>>) target(%arg6 : memref<32x200xi32, #tpu.memory_space<vmem>>) target_semaphore(%arg9 : memref<!tpu.dma_semaphore, #tpu.memory_space<semaphore_mem>>)
    %parallel_loop3A = arith.constant 0 : i32
    %parallel_loop3A_19 = arith.constant 100352 : i32
    %parallel_loop3A_20 = arith.constant 16 : i32
    scf.for %parallel_loop3A_35 = %parallel_loop3A to %parallel_loop3A_19 step %parallel_loop3A_20  : i32 {
      %parallel_loop3A_36 = arith.index_cast %parallel_loop3A_35 : i32 to index
      %parallel_loop3A_37 = tpu.vector_load %arg4[%parallel_loop3A_36] {strides = array<i32>} : memref<100352xi32, #tpu.memory_space<vmem>>, vector<16xi32>,
      tpu.vector_store %arg4[%parallel_loop3A_36], %broadcast_in_dim3A_1 {strides = array<i32>} : memref<100352xi32, #tpu.memory_space<vmem>>, vector<16xi32>,
    } {sc.loop_unroll_factor = 8 : i64, sc.parallel_access}
    %scan3A = arith.constant 0 : i32
    %scan3A_21 = arith.constant 0 : i32
    %scan3A_22 = arith.constant 5 : i32
    %scan3A_23 = arith.addi %scan3A_21, %scan3A_22 : i32
    %scan3A_24 = arith.constant 1 : i32
    %scan3A_25 = scf.for %scan3A_35 = %scan3A_21 to %scan3A_23 step %scan3A_24 iter_args(%scan3A_36 = %scan3A) -> (i32)  : i32 {
      %mul3A_37 = arith.constant 3 : i32
      %mul3A_38 = arith.muli %mul3A_37, %scan3A_35 : i32
      %add3A_39 = arith.constant 0 : i32
      %add3A_40 = arith.addi %mul3A_38, %add3A_39 : i32
      %add3A_41 = arith.constant 3 : i32
      %add3A_42 = arith.addi %add3A_40, %add3A_41 : i32
      %sub3A = arith.constant 1 : i32
      %sub3A_43 = arith.subi %add3A_42, %sub3A : i32
      %lt3A = arith.constant 16 : i32
      %lt3A_44 = arith.cmpi slt, %sub3A_43, %lt3A : i32
      %convert_element_type3A = arith.extui %lt3A_44 : i1 to i32
      %cond3A = arith.constant 0 : i32
      %cond3A_45 = arith.cmpi ne, %convert_element_type3A, %cond3A : i32
      scf.if %cond3A_45 {
        %mul3A_94 = arith.constant 32 : i32
        %mul3A_95 = arith.muli %sub3A_43, %mul3A_94 : i32
        %add3A_96 = arith.addi %mul3A_3, %mul3A_95 : i32
        %dma_start3A_97 = arith.constant 0 : i32
        %dma_start3A_98 = tpu.memref_slice %arg2[%add3A_96, %dma_start3A_97] : memref<16384x200xi32, #tpu.memory_space<hbm>> -> memref<32x200xi32, #tpu.memory_space<hbm>>
        %dma_start3A_99 = arith.constant 0 : i32
        %dma_start3A_100 = tpu.memref_slice %arg2[%add3A_96, %dma_start3A_99] : memref<16384x200xi32, #tpu.memory_space<hbm>> -> memref<32x200xi32, #tpu.memory_space<hbm>>
        tpu.enqueue_dma source(%dma_start3A_100 : memref<32x200xi32, #tpu.memory_space<hbm>>) target(%arg7 : memref<32x200xi32, #tpu.memory_space<vmem>>) target_semaphore(%arg10 : memref<!tpu.dma_semaphore, #tpu.memory_space<semaphore_mem>>)
      } else {
      }
      %dma_wait3A_46 = arith.constant 0 : i32
      %dma_wait3A_47 = tpu.memref_slice %arg2[%mul3A_3, %dma_wait3A_46] : memref<16384x200xi32, #tpu.memory_space<hbm>> -> memref<32x200xi32, #tpu.memory_space<hbm>>
      %dma_wait3A_48 = arith.constant 0 : i32
      %dma_wait3A_49 = tpu.memref_slice %arg2[%mul3A_3, %dma_wait3A_48] : memref<16384x200xi32, #tpu.memory_space<hbm>> -> memref<32x200xi32, #tpu.memory_space<hbm>>
      tpu.wait_dma2 semaphore(%arg8 : memref<!tpu.dma_semaphore, #tpu.memory_space<semaphore_mem>>) src(%dma_wait3A_49 : memref<32x200xi32, #tpu.memory_space<hbm>>) dst(%arg5 : memref<32x200xi32, #tpu.memory_space<vmem>>)
      %parallel_loop3A_50 = arith.constant 0 : i32
      %parallel_loop3A_51 = arith.constant 32 : i32
      %parallel_loop3A_52 = arith.constant 1 : i32
      scf.for %parallel_loop3A_94 = %parallel_loop3A_50 to %parallel_loop3A_51 step %parallel_loop3A_52  : i32 {
        %parallel_loop3A_95 = arith.index_cast %parallel_loop3A_94 : i32 to index
        %parallel_loop3A_96 = arith.constant 0 : index
        %parallel_loop3A_97 = tpu.vector_load %arg5[%parallel_loop3A_95, %parallel_loop3A_96] {strides = array<i32>} : memref<32x200xi32, #tpu.memory_space<vmem>>, vector<16xi32>,
        tpu.vector_store_idx %arg4[%parallel_loop3A_97], %broadcast_in_dim3A_7 {add = true} : memref<100352xi32, #tpu.memory_space<vmem>>[vector<16xi32>], vector<16xi32>,
        %parallel_loop3A_98 = arith.index_cast %parallel_loop3A_94 : i32 to index
        %parallel_loop3A_99 = arith.constant 16 : index
        %parallel_loop3A_100 = tpu.vector_load %arg5[%parallel_loop3A_98, %parallel_loop3A_99] {strides = array<i32>} : memref<32x200xi32, #tpu.memory_space<vmem>>, vector<16xi32>,
        tpu.vector_store_idx %arg4[%parallel_loop3A_100], %broadcast_in_dim3A_7 {add = true} : memref<100352xi32, #tpu.memory_space<vmem>>[vector<16xi32>], vector<16xi32>,
        %parallel_loop3A_101 = arith.index_cast %parallel_loop3A_94 : i32 to index
        %parallel_loop3A_102 = arith.constant 32 : index
        %parallel_loop3A_103 = tpu.vector_load %arg5[%parallel_loop3A_101, %parallel_loop3A_102] {strides = array<i32>} : memref<32x200xi32, #tpu.memory_space<vmem>>, vector<16xi32>,
        tpu.vector_store_idx %arg4[%parallel_loop3A_103], %broadcast_in_dim3A_7 {add = true} : memref<100352xi32, #tpu.memory_space<vmem>>[vector<16xi32>], vector<16xi32>,
        %parallel_loop3A_104 = arith.index_cast %parallel_loop3A_94 : i32 to index
        %parallel_loop3A_105 = arith.constant 48 : index
        %parallel_loop3A_106 = tpu.vector_load %arg5[%parallel_loop3A_104, %parallel_loop3A_105] {strides = array<i32>} : memref<32x200xi32, #tpu.memory_space<vmem>>, vector<16xi32>,
        tpu.vector_store_idx %arg4[%parallel_loop3A_106], %broadcast_in_dim3A_7 {add = true} : memref<100352xi32, #tpu.memory_space<vmem>>[vector<16xi32>], vector<16xi32>,
        %parallel_loop3A_107 = arith.index_cast %parallel_loop3A_94 : i32 to index
        %parallel_loop3A_108 = arith.constant 64 : index
        %parallel_loop3A_109 = tpu.vector_load %arg5[%parallel_loop3A_107, %parallel_loop3A_108] {strides = array<i32>} : memref<32x200xi32, #tpu.memory_space<vmem>>, vector<16xi32>,
        tpu.vector_store_idx %arg4[%parallel_loop3A_109], %broadcast_in_dim3A_7 {add = true} : memref<100352xi32, #tpu.memory_space<vmem>>[vector<16xi32>], vector<16xi32>,
        %parallel_loop3A_110 = arith.index_cast %parallel_loop3A_94 : i32 to index
        %parallel_loop3A_111 = arith.constant 80 : index
        %parallel_loop3A_112 = tpu.vector_load %arg5[%parallel_loop3A_110, %parallel_loop3A_111] {strides = array<i32>} : memref<32x200xi32, #tpu.memory_space<vmem>>, vector<16xi32>,
        tpu.vector_store_idx %arg4[%parallel_loop3A_112], %broadcast_in_dim3A_7 {add = true} : memref<100352xi32, #tpu.memory_space<vmem>>[vector<16xi32>], vector<16xi32>,
        %parallel_loop3A_113 = arith.index_cast %parallel_loop3A_94 : i32 to index
        %parallel_loop3A_114 = arith.constant 96 : index
        %parallel_loop3A_115 = tpu.vector_load %arg5[%parallel_loop3A_113, %parallel_loop3A_114] {strides = array<i32>} : memref<32x200xi32, #tpu.memory_space<vmem>>, vector<16xi32>,
        tpu.vector_store_idx %arg4[%parallel_loop3A_115], %broadcast_in_dim3A_7 {add = true} : memref<100352xi32, #tpu.memory_space<vmem>>[vector<16xi32>], vector<16xi32>,
        %parallel_loop3A_116 = arith.index_cast %parallel_loop3A_94 : i32 to index
        %parallel_loop3A_117 = arith.constant 112 : index
        %parallel_loop3A_118 = tpu.vector_load %arg5[%parallel_loop3A_116, %parallel_loop3A_117] {strides = array<i32>} : memref<32x200xi32, #tpu.memory_space<vmem>>, vector<16xi32>,
        tpu.vector_store_idx %arg4[%parallel_loop3A_118], %broadcast_in_dim3A_7 {add = true} : memref<100352xi32, #tpu.memory_space<vmem>>[vector<16xi32>], vector<16xi32>,
        %parallel_loop3A_119 = arith.index_cast %parallel_loop3A_94 : i32 to index
        %parallel_loop3A_120 = arith.constant 128 : index
        %parallel_loop3A_121 = tpu.vector_load %arg5[%parallel_loop3A_119, %parallel_loop3A_120] {strides = array<i32>} : memref<32x200xi32, #tpu.memory_space<vmem>>, vector<16xi32>,
        tpu.vector_store_idx %arg4[%parallel_loop3A_121], %broadcast_in_dim3A_7 {add = true} : memref<100352xi32, #tpu.memory_space<vmem>>[vector<16xi32>], vector<16xi32>,
        %parallel_loop3A_122 = arith.index_cast %parallel_loop3A_94 : i32 to index
        %parallel_loop3A_123 = arith.constant 144 : index
        %parallel_loop3A_124 = tpu.vector_load %arg5[%parallel_loop3A_122, %parallel_loop3A_123] {strides = array<i32>} : memref<32x200xi32, #tpu.memory_space<vmem>>, vector<16xi32>,
        tpu.vector_store_idx %arg4[%parallel_loop3A_124], %broadcast_in_dim3A_7 {add = true} : memref<100352xi32, #tpu.memory_space<vmem>>[vector<16xi32>], vector<16xi32>,
        %parallel_loop3A_125 = arith.index_cast %parallel_loop3A_94 : i32 to index
        %parallel_loop3A_126 = arith.constant 160 : index
        %parallel_loop3A_127 = tpu.vector_load %arg5[%parallel_loop3A_125, %parallel_loop3A_126] {strides = array<i32>} : memref<32x200xi32, #tpu.memory_space<vmem>>, vector<16xi32>,
        tpu.vector_store_idx %arg4[%parallel_loop3A_127], %broadcast_in_dim3A_7 {add = true} : memref<100352xi32, #tpu.memory_space<vmem>>[vector<16xi32>], vector<16xi32>,
        %parallel_loop3A_128 = arith.index_cast %parallel_loop3A_94 : i32 to index
        %parallel_loop3A_129 = arith.constant 176 : index
        %parallel_loop3A_130 = tpu.vector_load %arg5[%parallel_loop3A_128, %parallel_loop3A_129] {strides = array<i32>} : memref<32x200xi32, #tpu.memory_space<vmem>>, vector<16xi32>,
        tpu.vector_store_idx %arg4[%parallel_loop3A_130], %broadcast_in_dim3A_7 {add = true} : memref<100352xi32, #tpu.memory_space<vmem>>[vector<16xi32>], vector<16xi32>,
        %parallel_loop3A_131 = arith.index_cast %parallel_loop3A_94 : i32 to index
        %parallel_loop3A_132 = arith.constant 184 : index
        %parallel_loop3A_133 = tpu.vector_load %arg5[%parallel_loop3A_131, %parallel_loop3A_132] {strides = array<i32>} : memref<32x200xi32, #tpu.memory_space<vmem>>, vector<16xi32>,
        tpu.vector_store_idx %arg4[%parallel_loop3A_133], %broadcast_in_dim3A_7 masked %ge3A_5 {add = true} : memref<100352xi32, #tpu.memory_space<vmem>>[vector<16xi32>], vector<16xi32>, vector<16xi1>
      } {sc.loop_unroll_factor = 2 : i64, sc.parallel_access}
      %mul3A_53 = arith.constant 3 : i32
      %mul3A_54 = arith.muli %mul3A_53, %scan3A_35 : i32
      %add3A_55 = arith.constant 1 : i32
      %add3A_56 = arith.addi %mul3A_54, %add3A_55 : i32
      %add3A_57 = arith.constant 3 : i32
      %add3A_58 = arith.addi %add3A_56, %add3A_57 : i32
      %sub3A_59 = arith.constant 1 : i32
      %sub3A_60 = arith.subi %add3A_58, %sub3A_59 : i32
      %lt3A_61 = arith.constant 16 : i32
      %lt3A_62 = arith.cmpi slt, %sub3A_60, %lt3A_61 : i32
      %convert_element_type3A_63 = arith.extui %lt3A_62 : i1 to i32
      %cond3A_64 = arith.constant 0 : i32
      %cond3A_65 = arith.cmpi ne, %convert_element_type3A_63, %cond3A_64 : i32
      scf.if %cond3A_65 {
        %mul3A_94 = arith.constant 32 : i32
        %mul3A_95 = arith.muli %sub3A_60, %mul3A_94 : i32
        %add3A_96 = arith.addi %mul3A_3, %mul3A_95 : i32
        %dma_start3A_97 = arith.constant 0 : i32
        %dma_start3A_98 = tpu.memref_slice %arg2[%add3A_96, %dma_start3A_97] : memref<16384x200xi32, #tpu.memory_space<hbm>> -> memref<32x200xi32, #tpu.memory_space<hbm>>
        %dma_start3A_99 = arith.constant 0 : i32
        %dma_start3A_100 = tpu.memref_slice %arg2[%add3A_96, %dma_start3A_99] : memref<16384x200xi32, #tpu.memory_space<hbm>> -> memref<32x200xi32, #tpu.memory_space<hbm>>
        tpu.enqueue_dma source(%dma_start3A_100 : memref<32x200xi32, #tpu.memory_space<hbm>>) target(%arg5 : memref<32x200xi32, #tpu.memory_space<vmem>>) target_semaphore(%arg8 : memref<!tpu.dma_semaphore, #tpu.memory_space<semaphore_mem>>)
      } else {
      }
      %dma_wait3A_66 = arith.constant 0 : i32
      %dma_wait3A_67 = tpu.memref_slice %arg2[%mul3A_3, %dma_wait3A_66] : memref<16384x200xi32, #tpu.memory_space<hbm>> -> memref<32x200xi32, #tpu.memory_space<hbm>>
      %dma_wait3A_68 = arith.constant 0 : i32
      %dma_wait3A_69 = tpu.memref_slice %arg2[%mul3A_3, %dma_wait3A_68] : memref<16384x200xi32, #tpu.memory_space<hbm>> -> memref<32x200xi32, #tpu.memory_space<hbm>>
      tpu.wait_dma2 semaphore(%arg9 : memref<!tpu.dma_semaphore, #tpu.memory_space<semaphore_mem>>) src(%dma_wait3A_69 : memref<32x200xi32, #tpu.memory_space<hbm>>) dst(%arg6 : memref<32x200xi32, #tpu.memory_space<vmem>>)
      %parallel_loop3A_70 = arith.constant 0 : i32
      %parallel_loop3A_71 = arith.constant 32 : i32
      %parallel_loop3A_72 = arith.constant 1 : i32
      scf.for %parallel_loop3A_94 = %parallel_loop3A_70 to %parallel_loop3A_71 step %parallel_loop3A_72  : i32 {
        %parallel_loop3A_95 = arith.index_cast %parallel_loop3A_94 : i32 to index
        %parallel_loop3A_96 = arith.constant 0 : index
        %parallel_loop3A_97 = tpu.vector_load %arg6[%parallel_loop3A_95, %parallel_loop3A_96] {strides = array<i32>} : memref<32x200xi32, #tpu.memory_space<vmem>>, vector<16xi32>,
        tpu.vector_store_idx %arg4[%parallel_loop3A_97], %broadcast_in_dim3A_7 {add = true} : memref<100352xi32, #tpu.memory_space<vmem>>[vector<16xi32>], vector<16xi32>,
        %parallel_loop3A_98 = arith.index_cast %parallel_loop3A_94 : i32 to index
        %parallel_loop3A_99 = arith.constant 16 : index
        %parallel_loop3A_100 = tpu.vector_load %arg6[%parallel_loop3A_98, %parallel_loop3A_99] {strides = array<i32>} : memref<32x200xi32, #tpu.memory_space<vmem>>, vector<16xi32>,
        tpu.vector_store_idx %arg4[%parallel_loop3A_100], %broadcast_in_dim3A_7 {add = true} : memref<100352xi32, #tpu.memory_space<vmem>>[vector<16xi32>], vector<16xi32>,
        %parallel_loop3A_101 = arith.index_cast %parallel_loop3A_94 : i32 to index
        %parallel_loop3A_102 = arith.constant 32 : index
        %parallel_loop3A_103 = tpu.vector_load %arg6[%parallel_loop3A_101, %parallel_loop3A_102] {strides = array<i32>} : memref<32x200xi32, #tpu.memory_space<vmem>>, vector<16xi32>,
        tpu.vector_store_idx %arg4[%parallel_loop3A_103], %broadcast_in_dim3A_7 {add = true} : memref<100352xi32, #tpu.memory_space<vmem>>[vector<16xi32>], vector<16xi32>,
        %parallel_loop3A_104 = arith.index_cast %parallel_loop3A_94 : i32 to index
        %parallel_loop3A_105 = arith.constant 48 : index
        %parallel_loop3A_106 = tpu.vector_load %arg6[%parallel_loop3A_104, %parallel_loop3A_105] {strides = array<i32>} : memref<32x200xi32, #tpu.memory_space<vmem>>, vector<16xi32>,
        tpu.vector_store_idx %arg4[%parallel_loop3A_106], %broadcast_in_dim3A_7 {add = true} : memref<100352xi32, #tpu.memory_space<vmem>>[vector<16xi32>], vector<16xi32>,
        %parallel_loop3A_107 = arith.index_cast %parallel_loop3A_94 : i32 to index
        %parallel_loop3A_108 = arith.constant 64 : index
        %parallel_loop3A_109 = tpu.vector_load %arg6[%parallel_loop3A_107, %parallel_loop3A_108] {strides = array<i32>} : memref<32x200xi32, #tpu.memory_space<vmem>>, vector<16xi32>,
        tpu.vector_store_idx %arg4[%parallel_loop3A_109], %broadcast_in_dim3A_7 {add = true} : memref<100352xi32, #tpu.memory_space<vmem>>[vector<16xi32>], vector<16xi32>,
        %parallel_loop3A_110 = arith.index_cast %parallel_loop3A_94 : i32 to index
        %parallel_loop3A_111 = arith.constant 80 : index
        %parallel_loop3A_112 = tpu.vector_load %arg6[%parallel_loop3A_110, %parallel_loop3A_111] {strides = array<i32>} : memref<32x200xi32, #tpu.memory_space<vmem>>, vector<16xi32>,
        tpu.vector_store_idx %arg4[%parallel_loop3A_112], %broadcast_in_dim3A_7 {add = true} : memref<100352xi32, #tpu.memory_space<vmem>>[vector<16xi32>], vector<16xi32>,
        %parallel_loop3A_113 = arith.index_cast %parallel_loop3A_94 : i32 to index
        %parallel_loop3A_114 = arith.constant 96 : index
        %parallel_loop3A_115 = tpu.vector_load %arg6[%parallel_loop3A_113, %parallel_loop3A_114] {strides = array<i32>} : memref<32x200xi32, #tpu.memory_space<vmem>>, vector<16xi32>,
        tpu.vector_store_idx %arg4[%parallel_loop3A_115], %broadcast_in_dim3A_7 {add = true} : memref<100352xi32, #tpu.memory_space<vmem>>[vector<16xi32>], vector<16xi32>,
        %parallel_loop3A_116 = arith.index_cast %parallel_loop3A_94 : i32 to index
        %parallel_loop3A_117 = arith.constant 112 : index
        %parallel_loop3A_118 = tpu.vector_load %arg6[%parallel_loop3A_116, %parallel_loop3A_117] {strides = array<i32>} : memref<32x200xi32, #tpu.memory_space<vmem>>, vector<16xi32>,
        tpu.vector_store_idx %arg4[%parallel_loop3A_118], %broadcast_in_dim3A_7 {add = true} : memref<100352xi32, #tpu.memory_space<vmem>>[vector<16xi32>], vector<16xi32>,
        %parallel_loop3A_119 = arith.index_cast %parallel_loop3A_94 : i32 to index
        %parallel_loop3A_120 = arith.constant 128 : index
        %parallel_loop3A_121 = tpu.vector_load %arg6[%parallel_loop3A_119, %parallel_loop3A_120] {strides = array<i32>} : memref<32x200xi32, #tpu.memory_space<vmem>>, vector<16xi32>,
        tpu.vector_store_idx %arg4[%parallel_loop3A_121], %broadcast_in_dim3A_7 {add = true} : memref<100352xi32, #tpu.memory_space<vmem>>[vector<16xi32>], vector<16xi32>,
        %parallel_loop3A_122 = arith.index_cast %parallel_loop3A_94 : i32 to index
        %parallel_loop3A_123 = arith.constant 144 : index
        %parallel_loop3A_124 = tpu.vector_load %arg6[%parallel_loop3A_122, %parallel_loop3A_123] {strides = array<i32>} : memref<32x200xi32, #tpu.memory_space<vmem>>, vector<16xi32>,
        tpu.vector_store_idx %arg4[%parallel_loop3A_124], %broadcast_in_dim3A_7 {add = true} : memref<100352xi32, #tpu.memory_space<vmem>>[vector<16xi32>], vector<16xi32>,
        %parallel_loop3A_125 = arith.index_cast %parallel_loop3A_94 : i32 to index
        %parallel_loop3A_126 = arith.constant 160 : index
        %parallel_loop3A_127 = tpu.vector_load %arg6[%parallel_loop3A_125, %parallel_loop3A_126] {strides = array<i32>} : memref<32x200xi32, #tpu.memory_space<vmem>>, vector<16xi32>,
        tpu.vector_store_idx %arg4[%parallel_loop3A_127], %broadcast_in_dim3A_7 {add = true} : memref<100352xi32, #tpu.memory_space<vmem>>[vector<16xi32>], vector<16xi32>,
        %parallel_loop3A_128 = arith.index_cast %parallel_loop3A_94 : i32 to index
        %parallel_loop3A_129 = arith.constant 176 : index
        %parallel_loop3A_130 = tpu.vector_load %arg6[%parallel_loop3A_128, %parallel_loop3A_129] {strides = array<i32>} : memref<32x200xi32, #tpu.memory_space<vmem>>, vector<16xi32>,
        tpu.vector_store_idx %arg4[%parallel_loop3A_130], %broadcast_in_dim3A_7 {add = true} : memref<100352xi32, #tpu.memory_space<vmem>>[vector<16xi32>], vector<16xi32>,
        %parallel_loop3A_131 = arith.index_cast %parallel_loop3A_94 : i32 to index
        %parallel_loop3A_132 = arith.constant 184 : index
        %parallel_loop3A_133 = tpu.vector_load %arg6[%parallel_loop3A_131, %parallel_loop3A_132] {strides = array<i32>} : memref<32x200xi32, #tpu.memory_space<vmem>>, vector<16xi32>,
        tpu.vector_store_idx %arg4[%parallel_loop3A_133], %broadcast_in_dim3A_7 masked %ge3A_5 {add = true} : memref<100352xi32, #tpu.memory_space<vmem>>[vector<16xi32>], vector<16xi32>, vector<16xi1>
      } {sc.loop_unroll_factor = 2 : i64, sc.parallel_access}
      %mul3A_73 = arith.constant 3 : i32
      %mul3A_74 = arith.muli %mul3A_73, %scan3A_35 : i32
      %add3A_75 = arith.constant 2 : i32
      %add3A_76 = arith.addi %mul3A_74, %add3A_75 : i32
      %add3A_77 = arith.constant 3 : i32
      %add3A_78 = arith.addi %add3A_76, %add3A_77 : i32
      %sub3A_79 = arith.constant 1 : i32
      %sub3A_80 = arith.subi %add3A_78, %sub3A_79 : i32
      %lt3A_81 = arith.constant 16 : i32
      %lt3A_82 = arith.cmpi slt, %sub3A_80, %lt3A_81 : i32
      %convert_element_type3A_83 = arith.extui %lt3A_82 : i1 to i32
      %cond3A_84 = arith.constant 0 : i32
      %cond3A_85 = arith.cmpi ne, %convert_element_type3A_83, %cond3A_84 : i32
      scf.if %cond3A_85 {
        %mul3A_94 = arith.constant 32 : i32
        %mul3A_95 = arith.muli %sub3A_80, %mul3A_94 : i32
        %add3A_96 = arith.addi %mul3A_3, %mul3A_95 : i32
        %dma_start3A_97 = arith.constant 0 : i32
        %dma_start3A_98 = tpu.memref_slice %arg2[%add3A_96, %dma_start3A_97] : memref<16384x200xi32, #tpu.memory_space<hbm>> -> memref<32x200xi32, #tpu.memory_space<hbm>>
        %dma_start3A_99 = arith.constant 0 : i32
        %dma_start3A_100 = tpu.memref_slice %arg2[%add3A_96, %dma_start3A_99] : memref<16384x200xi32, #tpu.memory_space<hbm>> -> memref<32x200xi32, #tpu.memory_space<hbm>>
        tpu.enqueue_dma source(%dma_start3A_100 : memref<32x200xi32, #tpu.memory_space<hbm>>) target(%arg6 : memref<32x200xi32, #tpu.memory_space<vmem>>) target_semaphore(%arg9 : memref<!tpu.dma_semaphore, #tpu.memory_space<semaphore_mem>>)
      } else {
      }
      %dma_wait3A_86 = arith.constant 0 : i32
      %dma_wait3A_87 = tpu.memref_slice %arg2[%mul3A_3, %dma_wait3A_86] : memref<16384x200xi32, #tpu.memory_space<hbm>> -> memref<32x200xi32, #tpu.memory_space<hbm>>
      %dma_wait3A_88 = arith.constant 0 : i32
      %dma_wait3A_89 = tpu.memref_slice %arg2[%mul3A_3, %dma_wait3A_88] : memref<16384x200xi32, #tpu.memory_space<hbm>> -> memref<32x200xi32, #tpu.memory_space<hbm>>
      tpu.wait_dma2 semaphore(%arg10 : memref<!tpu.dma_semaphore, #tpu.memory_space<semaphore_mem>>) src(%dma_wait3A_89 : memref<32x200xi32, #tpu.memory_space<hbm>>) dst(%arg7 : memref<32x200xi32, #tpu.memory_space<vmem>>)
      %parallel_loop3A_90 = arith.constant 0 : i32
      %parallel_loop3A_91 = arith.constant 32 : i32
      %parallel_loop3A_92 = arith.constant 1 : i32
      scf.for %parallel_loop3A_94 = %parallel_loop3A_90 to %parallel_loop3A_91 step %parallel_loop3A_92  : i32 {
        %parallel_loop3A_95 = arith.index_cast %parallel_loop3A_94 : i32 to index
        %parallel_loop3A_96 = arith.constant 0 : index
        %parallel_loop3A_97 = tpu.vector_load %arg7[%parallel_loop3A_95, %parallel_loop3A_96] {strides = array<i32>} : memref<32x200xi32, #tpu.memory_space<vmem>>, vector<16xi32>,
        tpu.vector_store_idx %arg4[%parallel_loop3A_97], %broadcast_in_dim3A_7 {add = true} : memref<100352xi32, #tpu.memory_space<vmem>>[vector<16xi32>], vector<16xi32>,
        %parallel_loop3A_98 = arith.index_cast %parallel_loop3A_94 : i32 to index
        %parallel_loop3A_99 = arith.constant 16 : index
        %parallel_loop3A_100 = tpu.vector_load %arg7[%parallel_loop3A_98, %parallel_loop3A_99] {strides = array<i32>} : memref<32x200xi32, #tpu.memory_space<vmem>>, vector<16xi32>,
        tpu.vector_store_idx %arg4[%parallel_loop3A_100], %broadcast_in_dim3A_7 {add = true} : memref<100352xi32, #tpu.memory_space<vmem>>[vector<16xi32>], vector<16xi32>,
        %parallel_loop3A_101 = arith.index_cast %parallel_loop3A_94 : i32 to index
        %parallel_loop3A_102 = arith.constant 32 : index
        %parallel_loop3A_103 = tpu.vector_load %arg7[%parallel_loop3A_101, %parallel_loop3A_102] {strides = array<i32>} : memref<32x200xi32, #tpu.memory_space<vmem>>, vector<16xi32>,
        tpu.vector_store_idx %arg4[%parallel_loop3A_103], %broadcast_in_dim3A_7 {add = true} : memref<100352xi32, #tpu.memory_space<vmem>>[vector<16xi32>], vector<16xi32>,
        %parallel_loop3A_104 = arith.index_cast %parallel_loop3A_94 : i32 to index
        %parallel_loop3A_105 = arith.constant 48 : index
        %parallel_loop3A_106 = tpu.vector_load %arg7[%parallel_loop3A_104, %parallel_loop3A_105] {strides = array<i32>} : memref<32x200xi32, #tpu.memory_space<vmem>>, vector<16xi32>,
        tpu.vector_store_idx %arg4[%parallel_loop3A_106], %broadcast_in_dim3A_7 {add = true} : memref<100352xi32, #tpu.memory_space<vmem>>[vector<16xi32>], vector<16xi32>,
        %parallel_loop3A_107 = arith.index_cast %parallel_loop3A_94 : i32 to index
        %parallel_loop3A_108 = arith.constant 64 : index
        %parallel_loop3A_109 = tpu.vector_load %arg7[%parallel_loop3A_107, %parallel_loop3A_108] {strides = array<i32>} : memref<32x200xi32, #tpu.memory_space<vmem>>, vector<16xi32>,
        tpu.vector_store_idx %arg4[%parallel_loop3A_109], %broadcast_in_dim3A_7 {add = true} : memref<100352xi32, #tpu.memory_space<vmem>>[vector<16xi32>], vector<16xi32>,
        %parallel_loop3A_110 = arith.index_cast %parallel_loop3A_94 : i32 to index
        %parallel_loop3A_111 = arith.constant 80 : index
        %parallel_loop3A_112 = tpu.vector_load %arg7[%parallel_loop3A_110, %parallel_loop3A_111] {strides = array<i32>} : memref<32x200xi32, #tpu.memory_space<vmem>>, vector<16xi32>,
        tpu.vector_store_idx %arg4[%parallel_loop3A_112], %broadcast_in_dim3A_7 {add = true} : memref<100352xi32, #tpu.memory_space<vmem>>[vector<16xi32>], vector<16xi32>,
        %parallel_loop3A_113 = arith.index_cast %parallel_loop3A_94 : i32 to index
        %parallel_loop3A_114 = arith.constant 96 : index
        %parallel_loop3A_115 = tpu.vector_load %arg7[%parallel_loop3A_113, %parallel_loop3A_114] {strides = array<i32>} : memref<32x200xi32, #tpu.memory_space<vmem>>, vector<16xi32>,
        tpu.vector_store_idx %arg4[%parallel_loop3A_115], %broadcast_in_dim3A_7 {add = true} : memref<100352xi32, #tpu.memory_space<vmem>>[vector<16xi32>], vector<16xi32>,
        %parallel_loop3A_116 = arith.index_cast %parallel_loop3A_94 : i32 to index
        %parallel_loop3A_117 = arith.constant 112 : index
        %parallel_loop3A_118 = tpu.vector_load %arg7[%parallel_loop3A_116, %parallel_loop3A_117] {strides = array<i32>} : memref<32x200xi32, #tpu.memory_space<vmem>>, vector<16xi32>,
        tpu.vector_store_idx %arg4[%parallel_loop3A_118], %broadcast_in_dim3A_7 {add = true} : memref<100352xi32, #tpu.memory_space<vmem>>[vector<16xi32>], vector<16xi32>,
        %parallel_loop3A_119 = arith.index_cast %parallel_loop3A_94 : i32 to index
        %parallel_loop3A_120 = arith.constant 128 : index
        %parallel_loop3A_121 = tpu.vector_load %arg7[%parallel_loop3A_119, %parallel_loop3A_120] {strides = array<i32>} : memref<32x200xi32, #tpu.memory_space<vmem>>, vector<16xi32>,
        tpu.vector_store_idx %arg4[%parallel_loop3A_121], %broadcast_in_dim3A_7 {add = true} : memref<100352xi32, #tpu.memory_space<vmem>>[vector<16xi32>], vector<16xi32>,
        %parallel_loop3A_122 = arith.index_cast %parallel_loop3A_94 : i32 to index
        %parallel_loop3A_123 = arith.constant 144 : index
        %parallel_loop3A_124 = tpu.vector_load %arg7[%parallel_loop3A_122, %parallel_loop3A_123] {strides = array<i32>} : memref<32x200xi32, #tpu.memory_space<vmem>>, vector<16xi32>,
        tpu.vector_store_idx %arg4[%parallel_loop3A_124], %broadcast_in_dim3A_7 {add = true} : memref<100352xi32, #tpu.memory_space<vmem>>[vector<16xi32>], vector<16xi32>,
        %parallel_loop3A_125 = arith.index_cast %parallel_loop3A_94 : i32 to index
        %parallel_loop3A_126 = arith.constant 160 : index
        %parallel_loop3A_127 = tpu.vector_load %arg7[%parallel_loop3A_125, %parallel_loop3A_126] {strides = array<i32>} : memref<32x200xi32, #tpu.memory_space<vmem>>, vector<16xi32>,
        tpu.vector_store_idx %arg4[%parallel_loop3A_127], %broadcast_in_dim3A_7 {add = true} : memref<100352xi32, #tpu.memory_space<vmem>>[vector<16xi32>], vector<16xi32>,
        %parallel_loop3A_128 = arith.index_cast %parallel_loop3A_94 : i32 to index
        %parallel_loop3A_129 = arith.constant 176 : index
        %parallel_loop3A_130 = tpu.vector_load %arg7[%parallel_loop3A_128, %parallel_loop3A_129] {strides = array<i32>} : memref<32x200xi32, #tpu.memory_space<vmem>>, vector<16xi32>,
        tpu.vector_store_idx %arg4[%parallel_loop3A_130], %broadcast_in_dim3A_7 {add = true} : memref<100352xi32, #tpu.memory_space<vmem>>[vector<16xi32>], vector<16xi32>,
        %parallel_loop3A_131 = arith.index_cast %parallel_loop3A_94 : i32 to index
        %parallel_loop3A_132 = arith.constant 184 : index
        %parallel_loop3A_133 = tpu.vector_load %arg7[%parallel_loop3A_131, %parallel_loop3A_132] {strides = array<i32>} : memref<32x200xi32, #tpu.memory_space<vmem>>, vector<16xi32>,
        tpu.vector_store_idx %arg4[%parallel_loop3A_133], %broadcast_in_dim3A_7 masked %ge3A_5 {add = true} : memref<100352xi32, #tpu.memory_space<vmem>>[vector<16xi32>], vector<16xi32>, vector<16xi1>
      } {sc.loop_unroll_factor = 2 : i64, sc.parallel_access}
      %scan3A_93 = arith.constant 0 : i32
      scf.yield %scan3A_93 : i32
    }
    %scan3A_26 = arith.constant 5 : i32
    %dma_wait3A = arith.constant 0 : i32
    %dma_wait3A_27 = tpu.memref_slice %arg2[%mul3A_3, %dma_wait3A] : memref<16384x200xi32, #tpu.memory_space<hbm>> -> memref<32x200xi32, #tpu.memory_space<hbm>>
    %dma_wait3A_28 = arith.constant 0 : i32
    %dma_wait3A_29 = tpu.memref_slice %arg2[%mul3A_3, %dma_wait3A_28] : memref<16384x200xi32, #tpu.memory_space<hbm>> -> memref<32x200xi32, #tpu.memory_space<hbm>>
    tpu.wait_dma2 semaphore(%arg8 : memref<!tpu.dma_semaphore, #tpu.memory_space<semaphore_mem>>) src(%dma_wait3A_29 : memref<32x200xi32, #tpu.memory_space<hbm>>) dst(%arg5 : memref<32x200xi32, #tpu.memory_space<vmem>>)
    %parallel_loop3A_30 = arith.constant 0 : i32
    %parallel_loop3A_31 = arith.constant 32 : i32
    %parallel_loop3A_32 = arith.constant 1 : i32
    scf.for %parallel_loop3A_35 = %parallel_loop3A_30 to %parallel_loop3A_31 step %parallel_loop3A_32  : i32 {
      %parallel_loop3A_36 = arith.index_cast %parallel_loop3A_35 : i32 to index
      %parallel_loop3A_37 = arith.constant 0 : index
      %parallel_loop3A_38 = tpu.vector_load %arg5[%parallel_loop3A_36, %parallel_loop3A_37] {strides = array<i32>} : memref<32x200xi32, #tpu.memory_space<vmem>>, vector<16xi32>,
      tpu.vector_store_idx %arg4[%parallel_loop3A_38], %broadcast_in_dim3A_7 {add = true} : memref<100352xi32, #tpu.memory_space<vmem>>[vector<16xi32>], vector<16xi32>,
      %parallel_loop3A_39 = arith.index_cast %parallel_loop3A_35 : i32 to index
      %parallel_loop3A_40 = arith.constant 16 : index
      %parallel_loop3A_41 = tpu.vector_load %arg5[%parallel_loop3A_39, %parallel_loop3A_40] {strides = array<i32>} : memref<32x200xi32, #tpu.memory_space<vmem>>, vector<16xi32>,
      tpu.vector_store_idx %arg4[%parallel_loop3A_41], %broadcast_in_dim3A_7 {add = true} : memref<100352xi32, #tpu.memory_space<vmem>>[vector<16xi32>], vector<16xi32>,
      %parallel_loop3A_42 = arith.index_cast %parallel_loop3A_35 : i32 to index
      %parallel_loop3A_43 = arith.constant 32 : index
      %parallel_loop3A_44 = tpu.vector_load %arg5[%parallel_loop3A_42, %parallel_loop3A_43] {strides = array<i32>} : memref<32x200xi32, #tpu.memory_space<vmem>>, vector<16xi32>,
      tpu.vector_store_idx %arg4[%parallel_loop3A_44], %broadcast_in_dim3A_7 {add = true} : memref<100352xi32, #tpu.memory_space<vmem>>[vector<16xi32>], vector<16xi32>,
      %parallel_loop3A_45 = arith.index_cast %parallel_loop3A_35 : i32 to index
      %parallel_loop3A_46 = arith.constant 48 : index
      %parallel_loop3A_47 = tpu.vector_load %arg5[%parallel_loop3A_45, %parallel_loop3A_46] {strides = array<i32>} : memref<32x200xi32, #tpu.memory_space<vmem>>, vector<16xi32>,
      tpu.vector_store_idx %arg4[%parallel_loop3A_47], %broadcast_in_dim3A_7 {add = true} : memref<100352xi32, #tpu.memory_space<vmem>>[vector<16xi32>], vector<16xi32>,
      %parallel_loop3A_48 = arith.index_cast %parallel_loop3A_35 : i32 to index
      %parallel_loop3A_49 = arith.constant 64 : index
      %parallel_loop3A_50 = tpu.vector_load %arg5[%parallel_loop3A_48, %parallel_loop3A_49] {strides = array<i32>} : memref<32x200xi32, #tpu.memory_space<vmem>>, vector<16xi32>,
      tpu.vector_store_idx %arg4[%parallel_loop3A_50], %broadcast_in_dim3A_7 {add = true} : memref<100352xi32, #tpu.memory_space<vmem>>[vector<16xi32>], vector<16xi32>,
      %parallel_loop3A_51 = arith.index_cast %parallel_loop3A_35 : i32 to index
      %parallel_loop3A_52 = arith.constant 80 : index
      %parallel_loop3A_53 = tpu.vector_load %arg5[%parallel_loop3A_51, %parallel_loop3A_52] {strides = array<i32>} : memref<32x200xi32, #tpu.memory_space<vmem>>, vector<16xi32>,
      tpu.vector_store_idx %arg4[%parallel_loop3A_53], %broadcast_in_dim3A_7 {add = true} : memref<100352xi32, #tpu.memory_space<vmem>>[vector<16xi32>], vector<16xi32>,
      %parallel_loop3A_54 = arith.index_cast %parallel_loop3A_35 : i32 to index
      %parallel_loop3A_55 = arith.constant 96 : index
      %parallel_loop3A_56 = tpu.vector_load %arg5[%parallel_loop3A_54, %parallel_loop3A_55] {strides = array<i32>} : memref<32x200xi32, #tpu.memory_space<vmem>>, vector<16xi32>,
      tpu.vector_store_idx %arg4[%parallel_loop3A_56], %broadcast_in_dim3A_7 {add = true} : memref<100352xi32, #tpu.memory_space<vmem>>[vector<16xi32>], vector<16xi32>,
      %parallel_loop3A_57 = arith.index_cast %parallel_loop3A_35 : i32 to index
      %parallel_loop3A_58 = arith.constant 112 : index
      %parallel_loop3A_59 = tpu.vector_load %arg5[%parallel_loop3A_57, %parallel_loop3A_58] {strides = array<i32>} : memref<32x200xi32, #tpu.memory_space<vmem>>, vector<16xi32>,
      tpu.vector_store_idx %arg4[%parallel_loop3A_59], %broadcast_in_dim3A_7 {add = true} : memref<100352xi32, #tpu.memory_space<vmem>>[vector<16xi32>], vector<16xi32>,
      %parallel_loop3A_60 = arith.index_cast %parallel_loop3A_35 : i32 to index
      %parallel_loop3A_61 = arith.constant 128 : index
      %parallel_loop3A_62 = tpu.vector_load %arg5[%parallel_loop3A_60, %parallel_loop3A_61] {strides = array<i32>} : memref<32x200xi32, #tpu.memory_space<vmem>>, vector<16xi32>,
      tpu.vector_store_idx %arg4[%parallel_loop3A_62], %broadcast_in_dim3A_7 {add = true} : memref<100352xi32, #tpu.memory_space<vmem>>[vector<16xi32>], vector<16xi32>,
      %parallel_loop3A_63 = arith.index_cast %parallel_loop3A_35 : i32 to index
      %parallel_loop3A_64 = arith.constant 144 : index
      %parallel_loop3A_65 = tpu.vector_load %arg5[%parallel_loop3A_63, %parallel_loop3A_64] {strides = array<i32>} : memref<32x200xi32, #tpu.memory_space<vmem>>, vector<16xi32>,
      tpu.vector_store_idx %arg4[%parallel_loop3A_65], %broadcast_in_dim3A_7 {add = true} : memref<100352xi32, #tpu.memory_space<vmem>>[vector<16xi32>], vector<16xi32>,
      %parallel_loop3A_66 = arith.index_cast %parallel_loop3A_35 : i32 to index
      %parallel_loop3A_67 = arith.constant 160 : index
      %parallel_loop3A_68 = tpu.vector_load %arg5[%parallel_loop3A_66, %parallel_loop3A_67] {strides = array<i32>} : memref<32x200xi32, #tpu.memory_space<vmem>>, vector<16xi32>,
      tpu.vector_store_idx %arg4[%parallel_loop3A_68], %broadcast_in_dim3A_7 {add = true} : memref<100352xi32, #tpu.memory_space<vmem>>[vector<16xi32>], vector<16xi32>,
      %parallel_loop3A_69 = arith.index_cast %parallel_loop3A_35 : i32 to index
      %parallel_loop3A_70 = arith.constant 176 : index
      %parallel_loop3A_71 = tpu.vector_load %arg5[%parallel_loop3A_69, %parallel_loop3A_70] {strides = array<i32>} : memref<32x200xi32, #tpu.memory_space<vmem>>, vector<16xi32>,
      tpu.vector_store_idx %arg4[%parallel_loop3A_71], %broadcast_in_dim3A_7 {add = true} : memref<100352xi32, #tpu.memory_space<vmem>>[vector<16xi32>], vector<16xi32>,
      %parallel_loop3A_72 = arith.index_cast %parallel_loop3A_35 : i32 to index
      %parallel_loop3A_73 = arith.constant 184 : index
      %parallel_loop3A_74 = tpu.vector_load %arg5[%parallel_loop3A_72, %parallel_loop3A_73] {strides = array<i32>} : memref<32x200xi32, #tpu.memory_space<vmem>>, vector<16xi32>,
      tpu.vector_store_idx %arg4[%parallel_loop3A_74], %broadcast_in_dim3A_7 masked %ge3A_5 {add = true} : memref<100352xi32, #tpu.memory_space<vmem>>[vector<16xi32>], vector<16xi32>, vector<16xi1>
    } {sc.loop_unroll_factor = 2 : i64, sc.parallel_access}
    %mul3A_33 = arith.constant 100352 : i32
    %mul3A_34 = arith.muli %add3A, %mul3A_33 : i32
    "tpu.region"() ({
      %run_scoped3A = tpu.sem_alloc : memref<!tpu.dma_semaphore, #tpu.memory_space<semaphore_mem>>
      %dma_start3A_35 = tpu.memref_slice %arg3[%mul3A_34] : memref<3211264xi32, #tpu.memory_space<hbm>> -> memref<100352xi32, #tpu.memory_space<hbm>>
      %dma_start3A_36 = tpu.memref_slice %arg3[%mul3A_34] : memref<3211264xi32, #tpu.memory_space<hbm>> -> memref<100352xi32, #tpu.memory_space<hbm>>
      tpu.enqueue_dma source(%arg4 : memref<100352xi32, #tpu.memory_space<vmem>>) target(%dma_start3A_36 : memref<100352xi32, #tpu.memory_space<hbm>>) target_semaphore(%run_scoped3A : memref<!tpu.dma_semaphore, #tpu.memory_space<semaphore_mem>>)
      %dma_wait3A_37 = tpu.memref_slice %arg3[%mul3A_34] : memref<3211264xi32, #tpu.memory_space<hbm>> -> memref<100352xi32, #tpu.memory_space<hbm>>
      %dma_wait3A_38 = tpu.memref_slice %arg3[%mul3A_34] : memref<3211264xi32, #tpu.memory_space<hbm>> -> memref<100352xi32, #tpu.memory_space<hbm>>
      tpu.wait_dma2 semaphore(%run_scoped3A : memref<!tpu.dma_semaphore, #tpu.memory_space<semaphore_mem>>) src(%arg4 : memref<100352xi32, #tpu.memory_space<vmem>>) dst(%dma_wait3A_38 : memref<100352xi32, #tpu.memory_space<hbm>>)
      tpu.yield
    }) : () -> ()
    return
  }
}

module attributes {stable_mosaic.version = 14 : i64} {
  func.func @_tc_entropy_body(%arg0: i32, %arg1: memref<32x392x128xi32, #tpu.memory_space<vmem>>, %arg2: memref<1x1xf32, #tpu.memory_space<smem>>, %arg3: memref<1xf32, #tpu.memory_space<smem>>) attributes {dimension_semantics = [#tpu.dimension_semantics<arbitrary>], iteration_bounds = array<i64: 2>, scalar_prefetch = 0 : i64, scratch_operands = 1 : i64, tpu.core_type = #tpu.core_type<tc>, window_params = [{transform_indices = @transform_0, window_bounds = array<i64: 32, 392, 128>}, {transform_indices = @transform_1, window_bounds = array<i64: 1, 1>}]} {
    %eq3A = arith.constant 0 : i32
    %eq3A_0 = arith.cmpi eq, %arg0, %eq3A : i32
    %convert_element_type3A = arith.extui %eq3A_0 : i1 to i32
    %cond3A = arith.constant 0 : i32
    %cond3A_1 = arith.cmpi ne, %convert_element_type3A, %cond3A : i32
    scf.if %cond3A_1 {
      %swap3A_31 = arith.constant 0.000000e+00 : f32
      %swap3A_32 = arith.constant 0 : index
      %swap3A_33 = memref.load %arg3[%swap3A_32] : memref<1xf32, #tpu.memory_space<smem>>
      memref.store %swap3A_31, %arg3[%swap3A_32] : memref<1xf32, #tpu.memory_space<smem>>
    } else {
    }
    %get3A = arith.constant 0 : index
    %get3A_2 = arith.constant 0 : index
    %get3A_3 = arith.constant 0 : index
    %get3A_4 = vector.load %arg1[%get3A, %get3A_2, %get3A_3] : memref<32x392x128xi32, #tpu.memory_space<vmem>>, vector<32x392x128xi32>
    %reduce_sum3A = arith.constant dense<0> : vector<392x128xi32>
    %reduce_sum3A_5 = vector.multi_reduction <add>, %get3A_4, %reduce_sum3A [0] : vector<32x392x128xi32> to vector<392x128xi32>
    %convert_element_type3A_6 = arith.sitofp %reduce_sum3A_5 : vector<392x128xi32> to vector<392x128xf32>
    %mul3A = arith.constant 3.05175774E-7 : f32
    %mul3A_7 = vector.broadcast %mul3A : f32 to vector<392x128xf32>
    %mul3A_8 = arith.mulf %convert_element_type3A_6, %mul3A_7 : vector<392x128xf32>
    %gt3A = arith.constant 0.000000e+00 : f32
    %gt3A_9 = vector.broadcast %gt3A : f32 to vector<392x128xf32>
    %gt3A_10 = arith.cmpf ogt, %mul3A_8, %gt3A_9 : vector<392x128xf32>
    %jit3A = arith.constant 1.000000e+00 : f32
    %broadcast_in_dim3A = vector.broadcast %jit3A : f32 to vector<392x128xf32>
    %select_n3A = arith.select %gt3A_10, %mul3A_8, %broadcast_in_dim3A : vector<392x128xi1>, vector<392x128xf32>
    %gt3A_11 = arith.constant 0.000000e+00 : f32
    %gt3A_12 = vector.broadcast %gt3A_11 : f32 to vector<392x128xf32>
    %gt3A_13 = arith.cmpf ogt, %mul3A_8, %gt3A_12 : vector<392x128xf32>
    %log3A = math.log %select_n3A : vector<392x128xf32>
    %mul3A_14 = arith.mulf %mul3A_8, %log3A : vector<392x128xf32>
    %jit3A_15 = arith.constant 0.000000e+00 : f32
    %broadcast_in_dim3A_16 = vector.broadcast %jit3A_15 : f32 to vector<392x128xf32>
    %select_n3A_17 = arith.select %gt3A_13, %mul3A_14, %broadcast_in_dim3A_16 : vector<392x128xi1>, vector<392x128xf32>
    %get3A_18 = arith.constant 0 : index
    %get3A_19 = memref.load %arg3[%get3A_18] : memref<1xf32, #tpu.memory_space<smem>>
    %reduce_sum3A_20 = vector.shape_cast %select_n3A_17 : vector<392x128xf32> to vector<1x392x128xf32>
    %reduce_sum3A_21 = arith.constant dense<0.000000e+00> : vector<1xf32>
    %reduce_sum3A_22 = vector.multi_reduction <add>, %reduce_sum3A_20, %reduce_sum3A_21 [1, 2] : vector<1x392x128xf32> to vector<1xf32>
    %reduce_sum3A_23 = vector.shape_cast %reduce_sum3A_22 : vector<1xf32> to vector<1x1x1xf32>
    %reduce_sum3A_24 = vector.extract %reduce_sum3A_23[0, 0, 0] : f32 from vector<1x1x1xf32>
    %add3A = arith.addf %get3A_19, %reduce_sum3A_24 : f32
    %swap3A = arith.constant 0 : index
    %swap3A_25 = memref.load %arg3[%swap3A] : memref<1xf32, #tpu.memory_space<smem>>
    memref.store %add3A, %arg3[%swap3A] : memref<1xf32, #tpu.memory_space<smem>>
    %eq3A_26 = arith.constant 1 : i32
    %eq3A_27 = arith.cmpi eq, %arg0, %eq3A_26 : i32
    %convert_element_type3A_28 = arith.extui %eq3A_27 : i1 to i32
    %cond3A_29 = arith.constant 0 : i32
    %cond3A_30 = arith.cmpi ne, %convert_element_type3A_28, %cond3A_29 : i32
    scf.if %cond3A_30 {
      %get3A_31 = arith.constant 0 : index
      %get3A_32 = memref.load %arg3[%get3A_31] : memref<1xf32, #tpu.memory_space<smem>>
      %neg3A = arith.constant 0.000000e+00 : f32
      %neg3A_33 = arith.subf %neg3A, %get3A_32 : f32
      %swap3A_34 = arith.constant 0 : index
      %swap3A_35 = arith.constant 0 : index
      %swap3A_36 = memref.load %arg2[%swap3A_34, %swap3A_35] : memref<1x1xf32, #tpu.memory_space<smem>>
      memref.store %neg3A_33, %arg2[%swap3A_34, %swap3A_35] : memref<1x1xf32, #tpu.memory_space<smem>>
    } else {
    }
    return
  }
  func.func @transform_0(%arg0: i32) -> (i32, i32, i32) {
    %c0_i32 = arith.constant 0 : i32
    %c0_i32_0 = arith.constant 0 : i32
    %c0_i32_1 = arith.constant 0 : i32
    return %c0_i32, %arg0, %c0_i32_0 : i32, i32, i32
  }
  func.func @transform_1(%arg0: i32) -> (i32, i32) {
    %c0_i32 = arith.constant 0 : i32
    %c0_i32_0 = arith.constant 0 : i32
    %c0_i32_1 = arith.constant 0 : i32
    return %c0_i32, %c0_i32_0 : i32, i32
  }
}

</mosaic_0001>

<sc_bundles>
// kernel: kernel.4.cloned.1.call-start
scs
__scs_entry_jumppad:
0x0: {  	(pc) =	sbr.rel $0x88, $3  }
0x1: {  	(tag) =	ssettag $0x0;
	lr =	simm.s32 $0x1  }
0x2: {  	[smem:$0x3FA0] =	sst lr;
	_ =	strace $0xD0000000  }
0x3: {  	_ = 	snop  }
0x4: {  	_ = 	snop  }
0x5: {  	_ = 	snop  }
0x6: {  	_ = 	snop  }
0x7: {  	_ = 	snop  }
__scs_overlays_trampoline_lowered:
0x8: {  	[smem:$0x3FAF] =	sst s0  }
0x9: {  	[smem:$0x3FB0] =	sst s1  }
0xa: {  	[smem:$0x3FB1] =	sst s2  }
0xb: {  	[smem:$0x3FB2] =	sst s3  }
0xc: {  	[smem:$0x3FB3] =	sst s4  }
0xd: {  	[smem:$0x3FB4] =	sst s5  }
0xe: {  	[smem:$0x3FB5] =	sst s6  }
0xf: {  	[smem:$0x3FB6] =	sst s7  }
0x10: {  	[smem:$0x3FB7] =	sst s8  }
0x11: {  	[smem:$0x3FB8] =	sst s9;
	s0 =	simm.s32 @!p0 $0x0  }
0x12: {  	s1 =	sld [smem:$0x3F9E];
	s0 =	simm.s32 @p0 $0x1  }
0x13: {  	[smem:$0x3FB9] =	sst s0;
	s0 =	simm.s32 @!p1 $0x0  }
0x14: {  	s2 =	sld [smem:$0x3F9D];
	s0 =	simm.s32 @p1 $0x1  }
0x15: {  	[smem:$0x3FBA] =	sst s0;
	s0 =	simm.s32 @!p2 $0x0  }
0x16: {  	s3 =	sld [smem:$0x3FDB];
	s0 =	simm.s32 @p2 $0x1  }
0x17: {  	s4 =	simm.s32 $0x1BF5;
	[smem:$0x3FBC] =	sst s0  }
0x18: {  	s0 =	sld [smem:$0x3F9F];
	_ =	swait.ge [sflag:s4], $0x0  }
0x19: {  	s7 =	sld [smem:$0x3FA0]  }
0x1a: {  	s8 =	sadd.s32 $0xFFFFE003, lr  }
0x1b: {  	s9 =	sadd.s32 $0xFFFFFEF7, lr;
	s5 =	simm.s32 $0xFFFFFFFF;
	p2 =	slt.u32 s8, $0xFFFFF086  }
0x1c: {  	p1 =	slt.u32 s9, $0xF7A;
	s5 =	simm.s32 @!p2 $0x0  }
0x1d: {  	s5 =	simm.s32 @p1 $0x1;
	p0 =	seq.s32 s7, s2  }
0x1e: {  	s7 =	smul.u32 @!p0 $0xF7A, s2;
	p2 =	seq.s32 @!p0 s5, $0x0  }
0x1f: {  	s9 =	smul.u32 $0xF7A, s1;
	s8 =	simm.s32 @!p0 $0x1BF5;
	p2 =	por !p2, p0  }
0x20: {  	[sflag:s8] =	ssyncset.s32 @!p0 $0xFFFFF086;
	s6 =	sadd.s32 @!p0 s3, s7;
	s7 =	simm.s32 @!p0 $0x108  }
0x21: {  	s3 =	sadd.s32 s3, s9;
	s6 =	sadd.s32 @!p0 $0x88, s6;
	s7 =	simm.s32 @p2 $0x1082  }
0x22: {  	[simem:s7], [sflag:s8] =	dma.local @!p0 [hbm:s6], $0xF7A  }
0x23: {  	s9 =	sor.u32 $0xD0000000, s2;
	s6 =	simm.s32 $0x108;
	_ =	swait.ge @!p0 [sflag:s8], $0x0  }
0x24: {  	s3 =	sadd.s32 $0x88, s3;
	s6 =	simm.s32 @!p1 $0x1082;
	[sflag:s4] =	ssyncset.s32 $0xFFFFF086  }
0x25: {  	[simem:s6], [sflag:s4] =	dma.local [hbm:s3], $0xF7A  }
0x26: {  	[smem:$0x3FA0] =	sst s1;
	(tag) =	ssettag s2;
	_ =	strace s9  }
0x27: {  	s1 =	sld [smem:$0x3FB0]  }
0x28: {  	s2 =	sld [smem:$0x3FB1]  }
0x29: {  	s4 =	sld [smem:$0x3FB3]  }
0x2a: {  	p0 =	seq.s32 s5, $0x0;
	s5 =	sld [smem:$0x3FB4]  }
0x2b: {  	s6 =	sld [smem:$0x3FB5]  }
0x2c: {  	s7 =	sld [smem:$0x3FB6]  }
0x2d: {  	s3 =	simm.s32 $0x108;
	s8 =	sld [smem:$0x3FB7]  }
0x2e: {  	s3 =	simm.s32 @!p0 $0x1082;
	s9 =	sld [smem:$0x3FB8]  }
0x2f: {  	lr =	sadd.s32 s0, s3;
	s0 =	sld [smem:$0x3FAF]  }
0x30: {  	s3 =	sld [smem:$0x3FB2]  }
0x31: {  	[smem:$0x3FBB] =	sst s10  }
0x32: {  	s10 =	sld [smem:$0x3FB9];
	_ =	sdelay $0x3  }
0x33: {  	p0 =	seq.s32 s10, $0x1;
	s10 =	sld [smem:$0x3FBB];
	_ =	sdelay $0x3  }
0x34: {  	[smem:$0x3FBB] =	sst s10  }
0x35: {  	s10 =	sld [smem:$0x3FBA];
	_ =	sdelay $0x3  }
0x36: {  	p1 =	seq.s32 s10, $0x1;
	s10 =	sld [smem:$0x3FBB];
	_ =	sdelay $0x3  }
0x37: {  	[smem:$0x3FBB] =	sst s10  }
0x38: {  	s10 =	sld [smem:$0x3FBC]  }
0x39: {  	_ = 	snop;
	(pc) =	sbr.ind lr, $3  }
0x3a: {  	_ = 	snop  }
0x3b: {  	_ = 	snop  }
0x3c: {  	p2 =	seq.s32 s10, $0x1;
	s10 =	sld [smem:$0x3FBB]  }
0x3d: {  	_ =	shalt  }
0x3e: {  	_ =	shalt  }
0x3f: {  	_ =	shalt  }
0x40: {  	_ =	shalt  }
0x41: {  	_ =	shalt  }
0x42: {  	_ =	shalt  }
0x43: {  	_ =	shalt  }
0x44: {  	_ =	shalt  }
0x45: {  	_ =	shalt  }
0x46: {  	_ =	shalt  }
0x47: {  	_ =	shalt  }
0x48: {  	_ =	shalt  }
0x49: {  	_ =	shalt  }
0x4a: {  	_ =	shalt  }
0x4b: {  	_ =	shalt  }
0x4c: {  	_ =	shalt  }
0x4d: {  	_ =	shalt  }
0x4e: {  	_ =	shalt  }
0x4f: {  	_ =	shalt  }
0x50: {  	_ =	shalt  }
0x51: {  	_ =	shalt  }
0x52: {  	_ =	shalt  }
0x53: {  	_ =	shalt  }
0x54: {  	_ =	shalt  }
0x55: {  	_ =	shalt  }
0x56: {  	_ =	shalt  }
0x57: {  	_ =	shalt  }
0x58: {  	_ =	shalt  }
0x59: {  	_ =	shalt  }
0x5a: {  	_ =	shalt  }
0x5b: {  	_ =	shalt  }
0x5c: {  	_ =	shalt  }
0x5d: {  	_ =	shalt  }
0x5e: {  	_ =	shalt  }
0x5f: {  	_ =	shalt  }
0x60: {  	_ =	shalt  }
0x61: {  	_ =	shalt  }
0x62: {  	_ =	shalt  }
0x63: {  	_ =	shalt  }
0x64: {  	_ =	shalt  }
0x65: {  	_ =	shalt  }
0x66: {  	_ =	shalt  }
0x67: {  	_ =	shalt  }
0x68: {  	_ =	shalt  }
0x69: {  	_ =	shalt  }
0x6a: {  	_ =	shalt  }
0x6b: {  	_ =	shalt  }
0x6c: {  	_ =	shalt  }
0x6d: {  	_ =	shalt  }
0x6e: {  	_ =	shalt  }
0x6f: {  	_ =	shalt  }
0x70: {  	_ =	shalt  }
0x71: {  	_ =	shalt  }
0x72: {  	_ =	shalt  }
0x73: {  	_ =	shalt  }
0x74: {  	_ =	shalt  }
0x75: {  	_ =	shalt  }
0x76: {  	_ =	shalt  }
0x77: {  	_ =	shalt  }
0x78: {  	_ =	shalt  }
0x79: {  	_ =	shalt  }
0x7a: {  	_ =	shalt  }
0x7b: {  	_ =	shalt  }
0x7c: {  	_ =	shalt  }
0x7d: {  	_ =	shalt  }
0x7e: {  	_ =	shalt  }
0x7f: {  	_ =	shalt  }
0x80: {  	_ =	shalt  }
0x81: {  	_ =	shalt  }
0x82: {  	_ =	shalt  }
0x83: {  	_ =	shalt  }
0x84: {  	_ =	shalt  }
0x85: {  	_ =	shalt  }
0x86: {  	_ =	shalt  }
0x87: {  	_ =	shalt  }
.Lfunc_end0:
.L_simem_size_0:
called_computation_lowered:
.L_overlay_start_0:
0x88: {  	s2 =	sld [smem:$0x3FD9]  }
0x89: {  	s3 =	sld [smem:$0x3FFE];
	_ =	sdelay $0x1  }
0x8a: {  	s1 =	srdreg.scid  }
0x8b: {  	s0 =	sand.u32 $0x1, s1  }
0x8c: {  	s16 =	sshll.u32 s0, $0xA;
	s2 =	sadd.s32 s3, s2  }
0x8d: {  	s2 =	sadd.s32 s2, s16  }
0x8e: {  	[smem:$0x3FC7] =	sst s2  }
0x8f: {  	_ = 	snop  }
0x90: {  	(tm) =	ssettm $0x1  }
0x91: {  	s17 =	sld [smem:$0x3FFB];
	_ =	sdelay $0x3  }
0x92: {  	_ =	strace s17  }
0x93: {  	s2 =	sld [smem:$0x3FFC];
	_ =	sdelay $0x3  }
0x94: {  	_ =	strace s2  }
0x95: {  	s2 =	sld [smem:$0x3FFD];
	_ =	sdelay $0x3  }
0x96: {  	_ =	strace s2  }
0x97: {  	_ =	strace $0x8FFFFFFF  }
0x98: {  	s18 =	sld [smem:$0x3FDB];
	_ =	sdelay $0x1  }
0x99: {  	s19 =	simm.s32 $_scs_section_size  }
0x9a: {  	s4 =	simm.s32 $_size__tile_overlayer_lowered;
	s5 =	simm.s32 $_tile_overlayer_lowered  }
0x9b: {  	s22 =	simm.s32 $0x1BFF;
	s21 =	sshll.u32 s5, $0x1;
	s2 =	sadd.s32 s19, s18  }
0x9c: {  	s6 =	simm.s32 $0x0;
	s20 =	sshll.u32 s4, $0x1;
	s4 =	sadd.s32 s21, s2  }
0x9d: {  	[timem:s6], [sflag:s22] =	dma.local [hbm:s4], s20  }
0x9e: {  	_ =	swait.ge [sflag:s22], s20  }
0x9f: {  	s3 =	ssub.s32 $0x0, s20;
	[sflag:s22] =	ssyncset.done $0x0  }
0xa0: {  	[sflag:s22] =	ssyncadd.s32 s3;
	_ =	sdelay $0x1  }
0xa1: {  	s23 =	simm.s32 $0x1B8B  }
0xa2: {  	_ =	swait.ge [sflag:s23], $0x1  }
0xa3: {  	[sflag:s23] =	ssyncset.done $0x0  }
0xa4: {  	s25 =	simm.s32 $0x1B8E;
	s24 =	sld [smem:$0x3FFE];
	[sflag:s23] =	ssyncadd.s32 $0xFFFFFFFF  }
0xa5: {  	s26 =	simm.s32 $execute0_lowered;
	[smem:$0x3FD2] =	sst s25  }
0xa6: {  	s4 =	sshll.u32 s26, $0x1;
	_ =	strace $0x80000046;
	[dreg:$0x1] =	wrdreg $0xFFFFFFFF  }
0xa7: {  	s28 =	simm.s32 $_size_execute0_lowered;
	s2 =	sadd.s32 s2, s4;
	[dreg:$0x0] =	wrdreg $0x0  }
0xa8: {  	s4 =	sshll.u32 s28, $0x1;
	[dreg:$0x2] =	wrdreg s2  }
0xa9: {  	[dreg:$0x3] =	wrdreg s4  }
0xaa: {  	[dreg:$0x4] =	wrdreg $0xC0  }
0xab: {  	_ =	task [dreg:s6], $0x5FFFF  }
0xac: {  	[dreg:$0x1] =	wrdreg $0xFFFFFFFF  }
0xad: {  	[dreg:$0x0] =	wrdreg $0x60  }
0xae: {  	[dreg:$0x2] =	wrdreg s24  }
0xaf: {  	[dreg:$0x3] =	wrdreg $0x9  }
0xb0: {  	_ =	task.clear_ibuf [dreg:s6], $0x4FFFF;
	_ =	strace $0x90000046  }
0xb1: {  	s29 =	simm.s32 $0x9;
	_ =	strace $0x80000048  }
0xb2: {  	_ =	swait.ge [sflag:s29], $0x1  }
0xb3: {  	[sflag:s29] =	ssyncadd.s32 $0xFFFFFFFF  }
0xb4: {  	_ =	strace $0x90000048  }
0xb5: {  	_ =	sfence  }
0xb6: {  	s30 =	sld [smem:$0x0];
	_ =	sdelay $0x2  }
0xb7: {  	s31 =	sshll.u32 s1, $0xD;
	s1 =	sshrl.u32 s1, $0x2  }
0xb8: {  	s3 =	sand.u32 $0x4000, s31;
	s1 =	sadd.s32 s1, s30  }
0xb9: {  	s0 =	sor.u32 s3, s0;
	s1 =	sshll.u32 s1, $0x11  }
0xba: {  	s0 =	sor.u32 s1, s0  }
0xbb: {  	s0 =	sadd.s32 $0x8F2B, s0  }
0xbc: {  	[sflag:s0] =	ssyncadd.remote.s32 $0x1  }
0xbd: {  	_ =	sfence.sel $0xFFFF  }
0xbe: {  	[dreg:$0x0] =	wrdreg $0xFFFFFFFF;
	(pc) =	sbr.abs _section_cstart, $3  }
0xbf: {  	[dreg:$0x1] =	wrdreg $0xFFFFFFFF  }
0xc0: {  	_ =	task.clear_ibuf [dreg:s6], $0x2FFFF;
	_ =	strace $0x9FFFFFFF  }
0xc1: {  	(tm) =	ssettm $0x7FFFFFFF  }
tec
execute0_lowered:
.L_overlay_start_1:
0x0: {  	(tag) =	ssettag $0x1  }
0x1: {  	s1 =	srdreg.scid  }
0x2: {  	s0 =	stileid.u32;
	s4 =	rddreg [dreg:$0x0]  }
0x3: {  	s2 =	simm.s32 $0x0;
	s11 =	simm.s32 $0x18800;
	s12 =	simm.s32 $0x1A800  }
0x4: {  	s13 =	simm.s32 $0x1C800;
	s14 =	simm.s32 $0x1;
	s15 =	simm.s32 $0x2  }
0x5: {  	s16 =	simm.s32 $0x3;
	s17 =	simm.s32 $0x4;
	s18 =	simm.s32 $0x0  }
0x6: {  	s5 =	sand.u32 $0x1, s1;
	s3 =	sshll.u32 s0, $0x1;
	[smem:$0x7FF] =	sst s2  }
0x7: {  	s1 =	rddreg [dreg:$0x1];
	s6 =	sor.u32 s5, s3;
	_ =	strace $0x80000047  }
0x8: {  	s3 =	sadd.s32 $0x600, s4;
	s5 =	ssub.s32 $0x2, s5;
	s7 =	smul.u32 $0x3100, s6  }
0x9: {  	s30 =	sshll.u32 s6, $0xE;
	s31 =	sshrl.u32 s5, $0x1;
	s8 =	sshll.u32 s6, $0x11  }
0xa: {  	s10 =	ssub.s32 s5, s31;
	s6 =	sor.u32 $0x4000, s8;
	s9 =	sadd.s32 s7, s4  }
0xb: {  	s4 =	sadd.s32 s3, s30;
	s7 =	sor.u32 $0x6000, s8;
	s8 =	sor.u32 $0x8000, s8  }
0xc: {  	v0 =	vimm.s32 $0x0;
	v1 =	vimm.s32 $0x1;
	vm0 =	vcmask $0x3F20;
	s10 =	smax.u32 s10, $0x1;
	s5 =	sadd.s32 $0x400, s4;
	s9 =	sadd.s32 $0x80600, s9  }
.LBB2_1:
0xd: {  	[tilespmem:s11], [sflag:$0x1] =	stream.linear.gather [hbm4b:s4+s2], $0x2000, $0x38;
	[tilespmem:$0x1E800] =	vst v63  }
0xe: {  	s19 =	simm.s32 $0x40  }
0xf: {  	[tilespmem:s12], [sflag:$0x2] =	stream.linear.gather [hbm4b:s5+s2], $0x2000, $0x38;
	[tilespmem:$0x1E800] =	vst v63  }
0x10: {  	[tilespmem:s19+$0xFFFFFFC0] =	vst v0  }
0x11: {  	[tilespmem:s19+$0x30] =	vst v0  }
0x12: {  	[tilespmem:s19+$0x20] =	vst v0  }
0x13: {  	[tilespmem:s19+$0x10] =	vst v0  }
0x14: {  	[tilespmem:s19+$0x0] =	vst v0  }
0x15: {  	[tilespmem:s19+$0xFFFFFFF0] =	vst v0  }
0x16: {  	s20 =	simm.s32 $0x0;
	[tilespmem:s19+$0xFFFFFFE0] =	vst v0  }
.LBB2_2:
0x17: {  	s20 =	sadd.s32 $0x80, s20;
	[tilespmem:s19+$0xFFFFFFD0] =	vst v0;
	s19 =	sadd.s32 $0x80, s19  }
0x18: {  	[tilespmem:s19+$0xFFFFFFC0] =	vst v0;
	p0 =	slt.u32 s20, $0x18780  }
0x19: {  	[tilespmem:s19+$0x30] =	vst v0  }
.Ltmp0:
0x1a: {  	[tilespmem:s19+$0x20] =	vst v0;
	(pc) =	sbr.rel @p0 .LBB2_2-.Ltmp0, $4  }
0x1b: {  	[tilespmem:s19+$0x10] =	vst v0  }
0x1c: {  	[tilespmem:s19+$0x0] =	vst v0  }
0x1d: {  	[tilespmem:s19+$0xFFFFFFF0] =	vst v0  }
0x1e: {  	[tilespmem:s19+$0xFFFFFFE0] =	vst v0  }
0x1f: {  	[tilespmem:s19+$0xFFFFFFD0] =	vst v0;
	s19 =	simm.s32 $0x0;
	s20 =	simm.s32 $0x0  }
.LBB2_4:
0x20: {  	s21 =	smul.u32 $0x6000, s20;
	_ =	sdelay $0x1  }
0x21: {  	s22 =	sadd.s32 s21, s6  }
0x22: {  	s22 =	sshrl.u32 s22, $0x3  }
0x23: {  	s22 =	sadd.s32 s3, s22  }
0x24: {  	[tilespmem:s13], [sflag:$0x3] =	stream.linear.gather [hbm4b:s22+s19], $0x2000, $0x38;
	[tilespmem:$0x1E800] =	vst v63  }
0x25: {  	s30 =	sand.u32 $0x1800, s19;
	s23 =	sand.u32 $0x300, s19;
	_ =	swait.ge [sflag:s14], $0x2000  }
0x26: {  	s23 =	sor.u32 s23, s30;
	[sflag:s14] =	ssyncset.done $0x0  }
0x27: {  	s22 =	sadd.s32 $0x18800, s23;
	[sflag:s14] =	ssyncadd.s32 $0xFFFFE000  }
0x28: {  	v2 =	vld [tilespmem:s22+$0x80];
	_ =	sdelay $0x3  }
0x29: {  	v3 =	vld [tilespmem:s23+$0x18800];
	_ =	sdelay $0x3  }
0x2a: {  	[tilespmem:v2+s2+$0x0] =	vst.idx.add.s32.msk $0xffff, v1  }
0x2b: {  	v2 =	vld [tilespmem:s22+$0x90];
	_ =	sdelay $0x2  }
0x2c: {  	[tilespmem:v3+s2+$0x0] =	vst.idx.add.s32.msk $0xffff, v1  }
0x2d: {  	v3 =	vld [tilespmem:s22+$0x10];
	_ =	sdelay $0x3  }
0x2e: {  	[tilespmem:v2+s2+$0x0] =	vst.idx.add.s32.msk $0xffff, v1  }
0x2f: {  	v2 =	vld [tilespmem:s22+$0xA0];
	_ =	sdelay $0x2  }
0x30: {  	[tilespmem:v3+s2+$0x0] =	vst.idx.add.s32.msk $0xffff, v1  }
0x31: {  	v3 =	vld [tilespmem:s22+$0x20];
	_ =	sdelay $0x3  }
0x32: {  	[tilespmem:v2+s2+$0x0] =	vst.idx.add.s32.msk $0xffff, v1  }
0x33: {  	v2 =	vld [tilespmem:s22+$0xB0];
	_ =	sdelay $0x2  }
0x34: {  	[tilespmem:v3+s2+$0x0] =	vst.idx.add.s32.msk $0xffff, v1  }
0x35: {  	v3 =	vld [tilespmem:s22+$0x30];
	_ =	sdelay $0x3  }
0x36: {  	[tilespmem:v2+s2+$0x0] =	vst.idx.add.s32.msk $0xffff, v1  }
0x37: {  	v2 =	vld [tilespmem:s22+$0xC0];
	_ =	sdelay $0x2  }
0x38: {  	[tilespmem:v3+s2+$0x0] =	vst.idx.add.s32.msk $0xffff, v1  }
0x39: {  	v3 =	vld [tilespmem:s22+$0x40];
	_ =	sdelay $0x3  }
0x3a: {  	[tilespmem:v2+s2+$0x0] =	vst.idx.add.s32.msk $0xffff, v1  }
0x3b: {  	v2 =	vld [tilespmem:s22+$0xD0];
	_ =	sdelay $0x2  }
0x3c: {  	s31 =	simm.s32 $0x100;
	s24 =	simm.s32 $0x200;
	[tilespmem:v3+s2+$0x0] =	vst.idx.add.s32.msk $0xffff, v1  }
0x3d: {  	s24 =	sand.u32 $0x1800, s24;
	s23 =	sand.u32 $0x300, s31;
	v3 =	vld [tilespmem:s22+$0x50]  }
0x3e: {  	s24 =	sor.u32 s23, s24  }
0x3f: {  	s23 =	sadd.s32 $0x18800, s24  }
0x40: {  	v4 =	vld [tilespmem:s23+$0x80]  }
0x41: {  	[tilespmem:v2+s2+$0x0] =	vst.idx.add.s32.msk $0xffff, v1  }
0x42: {  	v2 =	vld [tilespmem:s22+$0xE0];
	_ =	sdelay $0x1  }
0x43: {  	v5 =	vld [tilespmem:s24+$0x18800]  }
0x44: {  	[tilespmem:v3+s2+$0x0] =	vst.idx.add.s32.msk $0xffff, v1  }
0x45: {  	v3 =	vld [tilespmem:s22+$0x60];
	_ =	sdelay $0x1  }
0x46: {  	[tilespmem:v4+s2+$0x0] =	vst.idx.add.s32.msk $0xffff, v1  }
0x47: {  	v4 =	vld [tilespmem:s23+$0x90]  }
0x48: {  	[tilespmem:v2+s2+$0x0] =	vst.idx.add.s32.msk $0xffff, v1  }
0x49: {  	v2 =	vld [tilespmem:s22+$0xF0]  }
0x4a: {  	[tilespmem:v5+s2+$0x0] =	vst.idx.add.s32.msk $0xffff, v1  }
0x4b: {  	v5 =	vld [tilespmem:s23+$0x10]  }
0x4c: {  	[tilespmem:v3+s2+$0x0] =	vst.idx.add.s32.msk $0xffff, v1  }
0x4d: {  	v3 =	vld [tilespmem:s22+$0x70];
	_ =	sdelay $0x1  }
0x4e: {  	[tilespmem:v4+s2+$0x0] =	vst.idx.add.s32.msk $0xffff, v1  }
0x4f: {  	v4 =	vld [tilespmem:s23+$0xA0]  }
0x50: {  	[tilespmem:v2+s2+$0x0] =	vst.idx.add.s32.msk $0xffff, v1  }
0x51: {  	v2 =	vld [tilespmem:s22+$0x480]  }
0x52: {  	[tilespmem:v5+s2+$0x0] =	vst.idx.add.s32.msk $0xffff, v1  }
0x53: {  	v5 =	vld [tilespmem:s23+$0x20]  }
0x54: {  	[tilespmem:v3+s2+$0x0] =	vst.idx.add.s32.msk $0xffff, v1  }
0x55: {  	v3 =	vld [tilespmem:s22+$0x400];
	_ =	sdelay $0x1  }
0x56: {  	[tilespmem:v4+s2+$0x0] =	vst.idx.add.s32.msk $0xffff, v1  }
0x57: {  	v4 =	vld [tilespmem:s23+$0xB0]  }
0x58: {  	[tilespmem:v2+s2+$0x0] =	vst.idx.add.s32.msk $0xffff, v1  }
0x59: {  	v2 =	vld [tilespmem:s22+$0x490]  }
0x5a: {  	[tilespmem:v5+s2+$0x0] =	vst.idx.add.s32.msk $0xffff, v1  }
0x5b: {  	v5 =	vld [tilespmem:s23+$0x30]  }
0x5c: {  	[tilespmem:v3+s2+$0x0] =	vst.idx.add.s32.msk $0xffff, v1  }
0x5d: {  	v3 =	vld [tilespmem:s22+$0x410];
	_ =	sdelay $0x1  }
0x5e: {  	[tilespmem:v4+s2+$0x0] =	vst.idx.add.s32.msk $0xffff, v1  }
0x5f: {  	v4 =	vld [tilespmem:s23+$0xC0]  }
0x60: {  	[tilespmem:v2+s2+$0x0] =	vst.idx.add.s32.msk $0xffff, v1  }
0x61: {  	v2 =	vld [tilespmem:s22+$0x4A0]  }
0x62: {  	[tilespmem:v5+s2+$0x0] =	vst.idx.add.s32.msk $0xffff, v1  }
0x63: {  	v5 =	vld [tilespmem:s23+$0x40]  }
0x64: {  	[tilespmem:v3+s2+$0x0] =	vst.idx.add.s32.msk $0xffff, v1  }
0x65: {  	v3 =	vld [tilespmem:s22+$0x420];
	_ =	sdelay $0x1  }
0x66: {  	[tilespmem:v4+s2+$0x0] =	vst.idx.add.s32.msk $0xffff, v1  }
0x67: {  	v4 =	vld [tilespmem:s23+$0xD0]  }
0x68: {  	[tilespmem:v2+s2+$0x0] =	vst.idx.add.s32.msk $0xffff, v1  }
0x69: {  	v2 =	vld [tilespmem:s22+$0x4B0]  }
0x6a: {  	s25 =	simm.s32 $0x200;
	s26 =	simm.s32 $0x400;
	s24 =	simm.s32 $0x2;
	[tilespmem:v5+s2+$0x0] =	vst.idx.add.s32.msk $0xffff, v1  }
.LBB2_5:
0x6b: {  	s28 =	sand.u32 $0x1800, s26;
	s29 =	sand.u32 $0x300, s25;
	s24 =	sadd.s32 $0x2, s24;
	v5 =	vld [tilespmem:s23+$0x50]  }
0x6c: {  	s29 =	sor.u32 s29, s28;
	p0 =	slt.u32 s24, $0x1E;
	[tilespmem:v3+s2+$0x0] =	vst.idx.add.s32.msk $0xffff, v1  }
0x6d: {  	s28 =	sadd.s32 $0x18800, s29;
	v3 =	vld [tilespmem:s29+$0x18800]  }
0x6e: {  	v6 =	vld [tilespmem:s28+$0x80]  }
0x6f: {  	[tilespmem:v4+s2+$0x0] =	vst.idx.add.s32.msk $0xffff, v1  }
0x70: {  	v4 =	vld [tilespmem:s23+$0xE0]  }
0x71: {  	[tilespmem:v2+s2+$0x0] =	vst.idx.add.s32.msk $0xffff, v1  }
0x72: {  	v2 =	vld [tilespmem:s22+$0x4B8]  }
0x73: {  	[tilespmem:v5+s2+$0x0] =	vst.idx.add.s32.msk $0xffff, v1  }
0x74: {  	v5 =	vld [tilespmem:s23+$0x60]  }
0x75: {  	[tilespmem:v3+s2+$0x0] =	vst.idx.add.s32.msk $0xffff, v1  }
0x76: {  	[tilespmem:v6+s2+$0x0] =	vst.idx.add.s32.msk $0xffff, v1  }
0x77: {  	v3 =	vld [tilespmem:s28+$0x90]  }
0x78: {  	[tilespmem:v4+s2+$0x0] =	vst.idx.add.s32.msk $0xffff, v1  }
0x79: {  	v4 =	vld [tilespmem:s23+$0xF0]  }
0x7a: {  	[tilespmem:v2+s2+$0x0] =	vst.idx.add.s32.msk vm0, v1  }
0x7b: {  	v2 =	vld [tilespmem:s28+$0x10]  }
0x7c: {  	[tilespmem:v5+s2+$0x0] =	vst.idx.add.s32.msk $0xffff, v1  }
0x7d: {  	v5 =	vld [tilespmem:s23+$0x70]  }
0x7e: {  	v6 =	vld [tilespmem:s22+$0x430]  }
0x7f: {  	[tilespmem:v3+s2+$0x0] =	vst.idx.add.s32.msk $0xffff, v1  }
0x80: {  	v3 =	vld [tilespmem:s28+$0xA0]  }
0x81: {  	[tilespmem:v4+s2+$0x0] =	vst.idx.add.s32.msk $0xffff, v1  }
0x82: {  	v4 =	vld [tilespmem:s23+$0x480]  }
0x83: {  	[tilespmem:v2+s2+$0x0] =	vst.idx.add.s32.msk $0xffff, v1  }
0x84: {  	v2 =	vld [tilespmem:s28+$0x20]  }
0x85: {  	[tilespmem:v5+s2+$0x0] =	vst.idx.add.s32.msk $0xffff, v1  }
0x86: {  	v5 =	vld [tilespmem:s23+$0x400]  }
0x87: {  	[tilespmem:v6+s2+$0x0] =	vst.idx.add.s32.msk $0xffff, v1  }
0x88: {  	[tilespmem:v3+s2+$0x0] =	vst.idx.add.s32.msk $0xffff, v1  }
0x89: {  	v3 =	vld [tilespmem:s28+$0xB0]  }
0x8a: {  	[tilespmem:v4+s2+$0x0] =	vst.idx.add.s32.msk $0xffff, v1  }
0x8b: {  	v4 =	vld [tilespmem:s23+$0x490]  }
0x8c: {  	[tilespmem:v2+s2+$0x0] =	vst.idx.add.s32.msk $0xffff, v1  }
0x8d: {  	v2 =	vld [tilespmem:s28+$0x30]  }
0x8e: {  	[tilespmem:v5+s2+$0x0] =	vst.idx.add.s32.msk $0xffff, v1  }
0x8f: {  	v5 =	vld [tilespmem:s23+$0x410]  }
0x90: {  	v6 =	vld [tilespmem:s22+$0x438];
	s22 =	smov.u32 s23;
	s23 =	smov.u32 s28  }
0x91: {  	[tilespmem:v3+s2+$0x0] =	vst.idx.add.s32.msk $0xffff, v1  }
0x92: {  	v7 =	vld [tilespmem:s23+$0xC0]  }
0x93: {  	[tilespmem:v4+s2+$0x0] =	vst.idx.add.s32.msk $0xffff, v1  }
0x94: {  	v8 =	vld [tilespmem:s22+$0x4A0]  }
0x95: {  	[tilespmem:v2+s2+$0x0] =	vst.idx.add.s32.msk $0xffff, v1  }
0x96: {  	v9 =	vld [tilespmem:s23+$0x40]  }
0x97: {  	[tilespmem:v5+s2+$0x0] =	vst.idx.add.s32.msk $0xffff, v1  }
0x98: {  	v3 =	vld [tilespmem:s22+$0x420]  }
0x99: {  	[tilespmem:v6+s2+$0x0] =	vst.idx.add.s32.msk vm0, v1  }
.Ltmp1:
0x9a: {  	[tilespmem:v7+s2+$0x0] =	vst.idx.add.s32.msk $0xffff, v1;
	(pc) =	sbr.rel @p0 .LBB2_5-.Ltmp1, $4  }
0x9b: {  	v4 =	vld [tilespmem:s23+$0xD0]  }
0x9c: {  	[tilespmem:v8+s2+$0x0] =	vst.idx.add.s32.msk $0xffff, v1  }
0x9d: {  	v2 =	vld [tilespmem:s22+$0x4B0]  }
0x9e: {  	s25 =	sadd.s32 $0x100, s25;
	s26 =	sadd.s32 $0x200, s26;
	[tilespmem:v9+s2+$0x0] =	vst.idx.add.s32.msk $0xffff, v1  }
0x9f: {  	v5 =	vld [tilespmem:s23+$0x50];
	_ =	sdelay $0x5  }
0xa0: {  	[tilespmem:v4+s2+$0x0] =	vst.idx.add.s32.msk $0xffff, v1  }
0xa1: {  	v4 =	vld [tilespmem:s23+$0xE0]  }
0xa2: {  	[tilespmem:v5+s2+$0x0] =	vst.idx.add.s32.msk $0xffff, v1  }
0xa3: {  	v5 =	vld [tilespmem:s23+$0x60];
	_ =	sdelay $0x5  }
0xa4: {  	[tilespmem:v4+s2+$0x0] =	vst.idx.add.s32.msk $0xffff, v1  }
0xa5: {  	v4 =	vld [tilespmem:s23+$0xF0]  }
0xa6: {  	[tilespmem:v5+s2+$0x0] =	vst.idx.add.s32.msk $0xffff, v1  }
0xa7: {  	v5 =	vld [tilespmem:s23+$0x70];
	_ =	sdelay $0x5  }
0xa8: {  	[tilespmem:v4+s2+$0x0] =	vst.idx.add.s32.msk $0xffff, v1  }
0xa9: {  	v4 =	vld [tilespmem:s23+$0x480]  }
0xaa: {  	[tilespmem:v5+s2+$0x0] =	vst.idx.add.s32.msk $0xffff, v1  }
0xab: {  	v5 =	vld [tilespmem:s23+$0x400];
	_ =	sdelay $0x5  }
0xac: {  	[tilespmem:v4+s2+$0x0] =	vst.idx.add.s32.msk $0xffff, v1  }
0xad: {  	v4 =	vld [tilespmem:s23+$0x490]  }
0xae: {  	[tilespmem:v5+s2+$0x0] =	vst.idx.add.s32.msk $0xffff, v1  }
0xaf: {  	v5 =	vld [tilespmem:s23+$0x410];
	_ =	sdelay $0x5  }
0xb0: {  	[tilespmem:v4+s2+$0x0] =	vst.idx.add.s32.msk $0xffff, v1  }
0xb1: {  	v4 =	vld [tilespmem:s23+$0x4A0]  }
0xb2: {  	[tilespmem:v5+s2+$0x0] =	vst.idx.add.s32.msk $0xffff, v1  }
0xb3: {  	v5 =	vld [tilespmem:s23+$0x420];
	_ =	sdelay $0x3  }
0xb4: {  	[tilespmem:v3+s2+$0x0] =	vst.idx.add.s32.msk $0xffff, v1  }
0xb5: {  	v3 =	vld [tilespmem:s22+$0x430]  }
0xb6: {  	[tilespmem:v4+s2+$0x0] =	vst.idx.add.s32.msk $0xffff, v1  }
0xb7: {  	v4 =	vld [tilespmem:s23+$0x4B0]  }
0xb8: {  	[tilespmem:v5+s2+$0x0] =	vst.idx.add.s32.msk $0xffff, v1  }
0xb9: {  	v5 =	vld [tilespmem:s23+$0x430];
	_ =	sdelay $0x1  }
0xba: {  	[tilespmem:v2+s2+$0x0] =	vst.idx.add.s32.msk $0xffff, v1  }
0xbb: {  	v2 =	vld [tilespmem:s22+$0x4B8]  }
0xbc: {  	[tilespmem:v3+s2+$0x0] =	vst.idx.add.s32.msk $0xffff, v1  }
0xbd: {  	v3 =	vld [tilespmem:s22+$0x438]  }
0xbe: {  	[tilespmem:v4+s2+$0x0] =	vst.idx.add.s32.msk $0xffff, v1  }
0xbf: {  	v4 =	vld [tilespmem:s23+$0x4B8]  }
0xc0: {  	[tilespmem:v5+s2+$0x0] =	vst.idx.add.s32.msk $0xffff, v1  }
0xc1: {  	v5 =	vld [tilespmem:s23+$0x438];
	_ =	sdelay $0x4  }
0xc2: {  	[tilespmem:v2+s2+$0x0] =	vst.idx.add.s32.msk vm0, v1  }
0xc3: {  	s28 =	sadd.s32 s21, s7;
	[tilespmem:v3+s2+$0x0] =	vst.idx.add.s32.msk vm0, v1  }
0xc4: {  	s22 =	sshrl.u32 s28, $0x3;
	[tilespmem:v4+s2+$0x0] =	vst.idx.add.s32.msk vm0, v1  }
0xc5: {  	s29 =	simm.s32 $0x0;
	s22 =	sadd.s32 s3, s22;
	[tilespmem:v5+s2+$0x0] =	vst.idx.add.s32.msk vm0, v1  }
0xc6: {  	[tilespmem:s11], [sflag:$0x1] =	stream.linear.gather [hbm4b:s22+s29], $0x2000, $0x38;
	[tilespmem:$0x1E800] =	vst v63  }
0xc7: {  	s30 =	sand.u32 $0x1800, s29;
	s23 =	sand.u32 $0x300, s29;
	_ =	swait.ge [sflag:s15], $0x2000  }
0xc8: {  	s23 =	sor.u32 s23, s30;
	[sflag:s15] =	ssyncset.done $0x0  }
0xc9: {  	s22 =	sadd.s32 $0x1A800, s23;
	[sflag:s15] =	ssyncadd.s32 $0xFFFFE000  }
0xca: {  	v2 =	vld [tilespmem:s22+$0x80];
	_ =	sdelay $0x3  }
0xcb: {  	v3 =	vld [tilespmem:s23+$0x1A800];
	_ =	sdelay $0x3  }
0xcc: {  	[tilespmem:v2+s2+$0x0] =	vst.idx.add.s32.msk $0xffff, v1  }
0xcd: {  	v2 =	vld [tilespmem:s22+$0x90];
	_ =	sdelay $0x2  }
0xce: {  	[tilespmem:v3+s2+$0x0] =	vst.idx.add.s32.msk $0xffff, v1  }
0xcf: {  	v3 =	vld [tilespmem:s22+$0x10];
	_ =	sdelay $0x3  }
0xd0: {  	[tilespmem:v2+s2+$0x0] =	vst.idx.add.s32.msk $0xffff, v1  }
0xd1: {  	v2 =	vld [tilespmem:s22+$0xA0];
	_ =	sdelay $0x2  }
0xd2: {  	[tilespmem:v3+s2+$0x0] =	vst.idx.add.s32.msk $0xffff, v1  }
0xd3: {  	v3 =	vld [tilespmem:s22+$0x20];
	_ =	sdelay $0x3  }
0xd4: {  	[tilespmem:v2+s2+$0x0] =	vst.idx.add.s32.msk $0xffff, v1  }
0xd5: {  	v2 =	vld [tilespmem:s22+$0xB0];
	_ =	sdelay $0x2  }
0xd6: {  	[tilespmem:v3+s2+$0x0] =	vst.idx.add.s32.msk $0xffff, v1  }
0xd7: {  	v3 =	vld [tilespmem:s22+$0x30];
	_ =	sdelay $0x3  }
0xd8: {  	[tilespmem:v2+s2+$0x0] =	vst.idx.add.s32.msk $0xffff, v1  }
0xd9: {  	v2 =	vld [tilespmem:s22+$0xC0];
	_ =	sdelay $0x2  }
0xda: {  	[tilespmem:v3+s2+$0x0] =	vst.idx.add.s32.msk $0xffff, v1  }
0xdb: {  	v3 =	vld [tilespmem:s22+$0x40];
	_ =	sdelay $0x3  }
0xdc: {  	[tilespmem:v2+s2+$0x0] =	vst.idx.add.s32.msk $0xffff, v1  }
0xdd: {  	v2 =	vld [tilespmem:s22+$0xD0];
	_ =	sdelay $0x2  }
0xde: {  	s31 =	simm.s32 $0x100;
	s24 =	simm.s32 $0x200;
	[tilespmem:v3+s2+$0x0] =	vst.idx.add.s32.msk $0xffff, v1  }
0xdf: {  	s24 =	sand.u32 $0x1800, s24;
	s23 =	sand.u32 $0x300, s31;
	v3 =	vld [tilespmem:s22+$0x50]  }
0xe0: {  	s24 =	sor.u32 s23, s24  }
0xe1: {  	s23 =	sadd.s32 $0x1A800, s24  }
0xe2: {  	v4 =	vld [tilespmem:s23+$0x80]  }
0xe3: {  	[tilespmem:v2+s2+$0x0] =	vst.idx.add.s32.msk $0xffff, v1  }
0xe4: {  	v2 =	vld [tilespmem:s22+$0xE0];
	_ =	sdelay $0x1  }
0xe5: {  	v5 =	vld [tilespmem:s24+$0x1A800]  }
0xe6: {  	[tilespmem:v3+s2+$0x0] =	vst.idx.add.s32.msk $0xffff, v1  }
0xe7: {  	v3 =	vld [tilespmem:s22+$0x60];
	_ =	sdelay $0x1  }
0xe8: {  	[tilespmem:v4+s2+$0x0] =	vst.idx.add.s32.msk $0xffff, v1  }
0xe9: {  	v4 =	vld [tilespmem:s23+$0x90]  }
0xea: {  	[tilespmem:v2+s2+$0x0] =	vst.idx.add.s32.msk $0xffff, v1  }
0xeb: {  	v2 =	vld [tilespmem:s22+$0xF0]  }
0xec: {  	[tilespmem:v5+s2+$0x0] =	vst.idx.add.s32.msk $0xffff, v1  }
0xed: {  	v5 =	vld [tilespmem:s23+$0x10]  }
0xee: {  	[tilespmem:v3+s2+$0x0] =	vst.idx.add.s32.msk $0xffff, v1  }
0xef: {  	v3 =	vld [tilespmem:s22+$0x70];
	_ =	sdelay $0x1  }
0xf0: {  	[tilespmem:v4+s2+$0x0] =	vst.idx.add.s32.msk $0xffff, v1  }
0xf1: {  	v4 =	vld [tilespmem:s23+$0xA0]  }
0xf2: {  	[tilespmem:v2+s2+$0x0] =	vst.idx.add.s32.msk $0xffff, v1  }
0xf3: {  	v2 =	vld [tilespmem:s22+$0x480]  }
0xf4: {  	[tilespmem:v5+s2+$0x0] =	vst.idx.add.s32.msk $0xffff, v1  }
0xf5: {  	v5 =	vld [tilespmem:s23+$0x20]  }
0xf6: {  	[tilespmem:v3+s2+$0x0] =	vst.idx.add.s32.msk $0xffff, v1  }
0xf7: {  	v3 =	vld [tilespmem:s22+$0x400];
	_ =	sdelay $0x1  }
0xf8: {  	[tilespmem:v4+s2+$0x0] =	vst.idx.add.s32.msk $0xffff, v1  }
0xf9: {  	v4 =	vld [tilespmem:s23+$0xB0]  }
0xfa: {  	[tilespmem:v2+s2+$0x0] =	vst.idx.add.s32.msk $0xffff, v1  }
0xfb: {  	v2 =	vld [tilespmem:s22+$0x490]  }
0xfc: {  	[tilespmem:v5+s2+$0x0] =	vst.idx.add.s32.msk $0xffff, v1  }
0xfd: {  	v5 =	vld [tilespmem:s23+$0x30]  }
0xfe: {  	[tilespmem:v3+s2+$0x0] =	vst.idx.add.s32.msk $0xffff, v1  }
0xff: {  	v3 =	vld [tilespmem:s22+$0x410];
	_ =	sdelay $0x1  }
0x100: {  	[tilespmem:v4+s2+$0x0] =	vst.idx.add.s32.msk $0xffff, v1  }
0x101: {  	v4 =	vld [tilespmem:s23+$0xC0]  }
0x102: {  	[tilespmem:v2+s2+$0x0] =	vst.idx.add.s32.msk $0xffff, v1  }
0x103: {  	v2 =	vld [tilespmem:s22+$0x4A0]  }
0x104: {  	[tilespmem:v5+s2+$0x0] =	vst.idx.add.s32.msk $0xffff, v1  }
0x105: {  	v5 =	vld [tilespmem:s23+$0x40]  }
0x106: {  	[tilespmem:v3+s2+$0x0] =	vst.idx.add.s32.msk $0xffff, v1  }
0x107: {  	v3 =	vld [tilespmem:s22+$0x420];
	_ =	sdelay $0x1  }
0x108: {  	[tilespmem:v4+s2+$0x0] =	vst.idx.add.s32.msk $0xffff, v1  }
0x109: {  	v4 =	vld [tilespmem:s23+$0xD0]  }
0x10a: {  	[tilespmem:v2+s2+$0x0] =	vst.idx.add.s32.msk $0xffff, v1  }
0x10b: {  	v2 =	vld [tilespmem:s22+$0x4B0]  }
0x10c: {  	s25 =	simm.s32 $0x200;
	s26 =	simm.s32 $0x400;
	s24 =	simm.s32 $0x2;
	[tilespmem:v5+s2+$0x0] =	vst.idx.add.s32.msk $0xffff, v1  }
.LBB2_7:
0x10d: {  	s28 =	sand.u32 $0x1800, s26;
	s29 =	sand.u32 $0x300, s25;
	s24 =	sadd.s32 $0x2, s24;
	v5 =	vld [tilespmem:s23+$0x50]  }
0x10e: {  	s29 =	sor.u32 s29, s28;
	p0 =	slt.u32 s24, $0x1E;
	[tilespmem:v3+s2+$0x0] =	vst.idx.add.s32.msk $0xffff, v1  }
0x10f: {  	s28 =	sadd.s32 $0x1A800, s29;
	v3 =	vld [tilespmem:s29+$0x1A800]  }
0x110: {  	v6 =	vld [tilespmem:s28+$0x80]  }
0x111: {  	[tilespmem:v4+s2+$0x0] =	vst.idx.add.s32.msk $0xffff, v1  }
0x112: {  	v4 =	vld [tilespmem:s23+$0xE0]  }
0x113: {  	[tilespmem:v2+s2+$0x0] =	vst.idx.add.s32.msk $0xffff, v1  }
0x114: {  	v2 =	vld [tilespmem:s22+$0x4B8]  }
0x115: {  	[tilespmem:v5+s2+$0x0] =	vst.idx.add.s32.msk $0xffff, v1  }
0x116: {  	v5 =	vld [tilespmem:s23+$0x60]  }
0x117: {  	[tilespmem:v3+s2+$0x0] =	vst.idx.add.s32.msk $0xffff, v1  }
0x118: {  	[tilespmem:v6+s2+$0x0] =	vst.idx.add.s32.msk $0xffff, v1  }
0x119: {  	v3 =	vld [tilespmem:s28+$0x90]  }
0x11a: {  	[tilespmem:v4+s2+$0x0] =	vst.idx.add.s32.msk $0xffff, v1  }
0x11b: {  	v4 =	vld [tilespmem:s23+$0xF0]  }
0x11c: {  	[tilespmem:v2+s2+$0x0] =	vst.idx.add.s32.msk vm0, v1  }
0x11d: {  	v2 =	vld [tilespmem:s28+$0x10]  }
0x11e: {  	[tilespmem:v5+s2+$0x0] =	vst.idx.add.s32.msk $0xffff, v1  }
0x11f: {  	v5 =	vld [tilespmem:s23+$0x70]  }
0x120: {  	v6 =	vld [tilespmem:s22+$0x430]  }
0x121: {  	[tilespmem:v3+s2+$0x0] =	vst.idx.add.s32.msk $0xffff, v1  }
0x122: {  	v3 =	vld [tilespmem:s28+$0xA0]  }
0x123: {  	[tilespmem:v4+s2+$0x0] =	vst.idx.add.s32.msk $0xffff, v1  }
0x124: {  	v4 =	vld [tilespmem:s23+$0x480]  }
0x125: {  	[tilespmem:v2+s2+$0x0] =	vst.idx.add.s32.msk $0xffff, v1  }
0x126: {  	v2 =	vld [tilespmem:s28+$0x20]  }
0x127: {  	[tilespmem:v5+s2+$0x0] =	vst.idx.add.s32.msk $0xffff, v1  }
0x128: {  	v5 =	vld [tilespmem:s23+$0x400]  }
0x129: {  	[tilespmem:v6+s2+$0x0] =	vst.idx.add.s32.msk $0xffff, v1  }
0x12a: {  	[tilespmem:v3+s2+$0x0] =	vst.idx.add.s32.msk $0xffff, v1  }
0x12b: {  	v3 =	vld [tilespmem:s28+$0xB0]  }
0x12c: {  	[tilespmem:v4+s2+$0x0] =	vst.idx.add.s32.msk $0xffff, v1  }
0x12d: {  	v4 =	vld [tilespmem:s23+$0x490]  }
0x12e: {  	[tilespmem:v2+s2+$0x0] =	vst.idx.add.s32.msk $0xffff, v1  }
0x12f: {  	v2 =	vld [tilespmem:s28+$0x30]  }
0x130: {  	[tilespmem:v5+s2+$0x0] =	vst.idx.add.s32.msk $0xffff, v1  }
0x131: {  	v5 =	vld [tilespmem:s23+$0x410]  }
0x132: {  	v6 =	vld [tilespmem:s22+$0x438];
	s22 =	smov.u32 s23;
	s23 =	smov.u32 s28  }
0x133: {  	[tilespmem:v3+s2+$0x0] =	vst.idx.add.s32.msk $0xffff, v1  }
0x134: {  	v7 =	vld [tilespmem:s23+$0xC0]  }
0x135: {  	[tilespmem:v4+s2+$0x0] =	vst.idx.add.s32.msk $0xffff, v1  }
0x136: {  	v8 =	vld [tilespmem:s22+$0x4A0]  }
0x137: {  	[tilespmem:v2+s2+$0x0] =	vst.idx.add.s32.msk $0xffff, v1  }
0x138: {  	v9 =	vld [tilespmem:s23+$0x40]  }
0x139: {  	[tilespmem:v5+s2+$0x0] =	vst.idx.add.s32.msk $0xffff, v1  }
0x13a: {  	v3 =	vld [tilespmem:s22+$0x420]  }
0x13b: {  	[tilespmem:v6+s2+$0x0] =	vst.idx.add.s32.msk vm0, v1  }
.Ltmp2:
0x13c: {  	[tilespmem:v7+s2+$0x0] =	vst.idx.add.s32.msk $0xffff, v1;
	(pc) =	sbr.rel @p0 .LBB2_7-.Ltmp2, $4  }
0x13d: {  	v4 =	vld [tilespmem:s23+$0xD0]  }
0x13e: {  	[tilespmem:v8+s2+$0x0] =	vst.idx.add.s32.msk $0xffff, v1  }
0x13f: {  	v2 =	vld [tilespmem:s22+$0x4B0]  }
0x140: {  	s25 =	sadd.s32 $0x100, s25;
	s26 =	sadd.s32 $0x200, s26;
	[tilespmem:v9+s2+$0x0] =	vst.idx.add.s32.msk $0xffff, v1  }
0x141: {  	v5 =	vld [tilespmem:s23+$0x50];
	_ =	sdelay $0x5  }
0x142: {  	[tilespmem:v4+s2+$0x0] =	vst.idx.add.s32.msk $0xffff, v1  }
0x143: {  	v4 =	vld [tilespmem:s23+$0xE0]  }
0x144: {  	[tilespmem:v5+s2+$0x0] =	vst.idx.add.s32.msk $0xffff, v1  }
0x145: {  	v5 =	vld [tilespmem:s23+$0x60];
	_ =	sdelay $0x5  }
0x146: {  	[tilespmem:v4+s2+$0x0] =	vst.idx.add.s32.msk $0xffff, v1  }
0x147: {  	v4 =	vld [tilespmem:s23+$0xF0]  }
0x148: {  	[tilespmem:v5+s2+$0x0] =	vst.idx.add.s32.msk $0xffff, v1  }
0x149: {  	v5 =	vld [tilespmem:s23+$0x70];
	_ =	sdelay $0x5  }
0x14a: {  	[tilespmem:v4+s2+$0x0] =	vst.idx.add.s32.msk $0xffff, v1  }
0x14b: {  	v4 =	vld [tilespmem:s23+$0x480]  }
0x14c: {  	[tilespmem:v5+s2+$0x0] =	vst.idx.add.s32.msk $0xffff, v1  }
0x14d: {  	v5 =	vld [tilespmem:s23+$0x400];
	_ =	sdelay $0x5  }
0x14e: {  	[tilespmem:v4+s2+$0x0] =	vst.idx.add.s32.msk $0xffff, v1  }
0x14f: {  	v4 =	vld [tilespmem:s23+$0x490]  }
0x150: {  	[tilespmem:v5+s2+$0x0] =	vst.idx.add.s32.msk $0xffff, v1  }
0x151: {  	v5 =	vld [tilespmem:s23+$0x410];
	_ =	sdelay $0x5  }
0x152: {  	[tilespmem:v4+s2+$0x0] =	vst.idx.add.s32.msk $0xffff, v1  }
0x153: {  	v4 =	vld [tilespmem:s23+$0x4A0]  }
0x154: {  	[tilespmem:v5+s2+$0x0] =	vst.idx.add.s32.msk $0xffff, v1  }
0x155: {  	v5 =	vld [tilespmem:s23+$0x420];
	_ =	sdelay $0x3  }
0x156: {  	[tilespmem:v3+s2+$0x0] =	vst.idx.add.s32.msk $0xffff, v1  }
0x157: {  	v3 =	vld [tilespmem:s22+$0x430]  }
0x158: {  	[tilespmem:v4+s2+$0x0] =	vst.idx.add.s32.msk $0xffff, v1  }
0x159: {  	v4 =	vld [tilespmem:s23+$0x4B0]  }
0x15a: {  	[tilespmem:v5+s2+$0x0] =	vst.idx.add.s32.msk $0xffff, v1  }
0x15b: {  	v5 =	vld [tilespmem:s23+$0x430];
	_ =	sdelay $0x1  }
0x15c: {  	[tilespmem:v2+s2+$0x0] =	vst.idx.add.s32.msk $0xffff, v1  }
0x15d: {  	v2 =	vld [tilespmem:s22+$0x4B8]  }
0x15e: {  	[tilespmem:v3+s2+$0x0] =	vst.idx.add.s32.msk $0xffff, v1  }
0x15f: {  	v3 =	vld [tilespmem:s22+$0x438]  }
0x160: {  	[tilespmem:v4+s2+$0x0] =	vst.idx.add.s32.msk $0xffff, v1  }
0x161: {  	v4 =	vld [tilespmem:s23+$0x4B8]  }
0x162: {  	[tilespmem:v5+s2+$0x0] =	vst.idx.add.s32.msk $0xffff, v1  }
0x163: {  	v5 =	vld [tilespmem:s23+$0x438];
	_ =	sdelay $0x4  }
0x164: {  	p0 =	seq.s32 s20, $0x4;
	[tilespmem:v2+s2+$0x0] =	vst.idx.add.s32.msk vm0, v1  }
0x165: {  	s21 =	sadd.s32 @!p0 s21, s8;
	[tilespmem:v3+s2+$0x0] =	vst.idx.add.s32.msk vm0, v1  }
0x166: {  	s28 =	simm.s32 $0x0;
	s21 =	sshrl.u32 @!p0 s21, $0x3;
	[tilespmem:v4+s2+$0x0] =	vst.idx.add.s32.msk vm0, v1  }
0x167: {  	s21 =	sadd.s32 @!p0 s3, s21;
	s22 =	simm.s32 @!p0 $0x0;
	s23 =	simm.s32 @!p0 $0x1A800;
	[tilespmem:v5+s2+$0x0] =	vst.idx.add.s32.msk vm0, v1  }
0x168: {  	[tilespmem:s23], [sflag:$0x2] =	stream.linear.gather @!p0 [hbm4b:s21+s22], $0x2000, $0x38;
	[tilespmem:$0x1E800] =	vst v63  }
0x169: {  	s29 =	sand.u32 $0x1800, s28;
	s21 =	sand.u32 $0x300, s28;
	_ =	swait.ge [sflag:s16], $0x2000  }
0x16a: {  	s22 =	sor.u32 s21, s29;
	[sflag:s16] =	ssyncset.done $0x0  }
0x16b: {  	s21 =	sadd.s32 $0x1C800, s22;
	[sflag:s16] =	ssyncadd.s32 $0xFFFFE000  }
0x16c: {  	v2 =	vld [tilespmem:s21+$0x80];
	_ =	sdelay $0x3  }
0x16d: {  	v3 =	vld [tilespmem:s22+$0x1C800];
	_ =	sdelay $0x3  }
0x16e: {  	[tilespmem:v2+s2+$0x0] =	vst.idx.add.s32.msk $0xffff, v1  }
0x16f: {  	v2 =	vld [tilespmem:s21+$0x90];
	_ =	sdelay $0x2  }
0x170: {  	[tilespmem:v3+s2+$0x0] =	vst.idx.add.s32.msk $0xffff, v1  }
0x171: {  	v3 =	vld [tilespmem:s21+$0x10];
	_ =	sdelay $0x3  }
0x172: {  	[tilespmem:v2+s2+$0x0] =	vst.idx.add.s32.msk $0xffff, v1  }
0x173: {  	v2 =	vld [tilespmem:s21+$0xA0];
	_ =	sdelay $0x2  }
0x174: {  	[tilespmem:v3+s2+$0x0] =	vst.idx.add.s32.msk $0xffff, v1  }
0x175: {  	v3 =	vld [tilespmem:s21+$0x20];
	_ =	sdelay $0x3  }
0x176: {  	[tilespmem:v2+s2+$0x0] =	vst.idx.add.s32.msk $0xffff, v1  }
0x177: {  	v2 =	vld [tilespmem:s21+$0xB0];
	_ =	sdelay $0x2  }
0x178: {  	[tilespmem:v3+s2+$0x0] =	vst.idx.add.s32.msk $0xffff, v1  }
0x179: {  	v3 =	vld [tilespmem:s21+$0x30];
	_ =	sdelay $0x3  }
0x17a: {  	[tilespmem:v2+s2+$0x0] =	vst.idx.add.s32.msk $0xffff, v1  }
0x17b: {  	v2 =	vld [tilespmem:s21+$0xC0];
	_ =	sdelay $0x2  }
0x17c: {  	[tilespmem:v3+s2+$0x0] =	vst.idx.add.s32.msk $0xffff, v1  }
0x17d: {  	v3 =	vld [tilespmem:s21+$0x40];
	_ =	sdelay $0x3  }
0x17e: {  	[tilespmem:v2+s2+$0x0] =	vst.idx.add.s32.msk $0xffff, v1  }
0x17f: {  	v2 =	vld [tilespmem:s21+$0xD0];
	_ =	sdelay $0x2  }
0x180: {  	s30 =	simm.s32 $0x100;
	s31 =	simm.s32 $0x200;
	[tilespmem:v3+s2+$0x0] =	vst.idx.add.s32.msk $0xffff, v1  }
0x181: {  	s23 =	sand.u32 $0x1800, s31;
	s22 =	sand.u32 $0x300, s30;
	v3 =	vld [tilespmem:s21+$0x50]  }
0x182: {  	s23 =	sor.u32 s22, s23  }
0x183: {  	s22 =	sadd.s32 $0x1C800, s23  }
0x184: {  	v4 =	vld [tilespmem:s22+$0x80]  }
0x185: {  	[tilespmem:v2+s2+$0x0] =	vst.idx.add.s32.msk $0xffff, v1  }
0x186: {  	v2 =	vld [tilespmem:s21+$0xE0];
	_ =	sdelay $0x1  }
0x187: {  	v5 =	vld [tilespmem:s23+$0x1C800]  }
0x188: {  	[tilespmem:v3+s2+$0x0] =	vst.idx.add.s32.msk $0xffff, v1  }
0x189: {  	v3 =	vld [tilespmem:s21+$0x60];
	_ =	sdelay $0x1  }
0x18a: {  	[tilespmem:v4+s2+$0x0] =	vst.idx.add.s32.msk $0xffff, v1  }
0x18b: {  	v4 =	vld [tilespmem:s22+$0x90]  }
0x18c: {  	[tilespmem:v2+s2+$0x0] =	vst.idx.add.s32.msk $0xffff, v1  }
0x18d: {  	v2 =	vld [tilespmem:s21+$0xF0]  }
0x18e: {  	[tilespmem:v5+s2+$0x0] =	vst.idx.add.s32.msk $0xffff, v1  }
0x18f: {  	v5 =	vld [tilespmem:s22+$0x10]  }
0x190: {  	[tilespmem:v3+s2+$0x0] =	vst.idx.add.s32.msk $0xffff, v1  }
0x191: {  	v3 =	vld [tilespmem:s21+$0x70];
	_ =	sdelay $0x1  }
0x192: {  	[tilespmem:v4+s2+$0x0] =	vst.idx.add.s32.msk $0xffff, v1  }
0x193: {  	v4 =	vld [tilespmem:s22+$0xA0]  }
0x194: {  	[tilespmem:v2+s2+$0x0] =	vst.idx.add.s32.msk $0xffff, v1  }
0x195: {  	v2 =	vld [tilespmem:s21+$0x480]  }
0x196: {  	[tilespmem:v5+s2+$0x0] =	vst.idx.add.s32.msk $0xffff, v1  }
0x197: {  	v5 =	vld [tilespmem:s22+$0x20]  }
0x198: {  	[tilespmem:v3+s2+$0x0] =	vst.idx.add.s32.msk $0xffff, v1  }
0x199: {  	v3 =	vld [tilespmem:s21+$0x400];
	_ =	sdelay $0x1  }
0x19a: {  	[tilespmem:v4+s2+$0x0] =	vst.idx.add.s32.msk $0xffff, v1  }
0x19b: {  	v4 =	vld [tilespmem:s22+$0xB0]  }
0x19c: {  	[tilespmem:v2+s2+$0x0] =	vst.idx.add.s32.msk $0xffff, v1  }
0x19d: {  	v2 =	vld [tilespmem:s21+$0x490]  }
0x19e: {  	[tilespmem:v5+s2+$0x0] =	vst.idx.add.s32.msk $0xffff, v1  }
0x19f: {  	v5 =	vld [tilespmem:s22+$0x30]  }
0x1a0: {  	[tilespmem:v3+s2+$0x0] =	vst.idx.add.s32.msk $0xffff, v1  }
0x1a1: {  	v3 =	vld [tilespmem:s21+$0x410];
	_ =	sdelay $0x1  }
0x1a2: {  	[tilespmem:v4+s2+$0x0] =	vst.idx.add.s32.msk $0xffff, v1  }
0x1a3: {  	v4 =	vld [tilespmem:s22+$0xC0]  }
0x1a4: {  	[tilespmem:v2+s2+$0x0] =	vst.idx.add.s32.msk $0xffff, v1  }
0x1a5: {  	v2 =	vld [tilespmem:s21+$0x4A0]  }
0x1a6: {  	[tilespmem:v5+s2+$0x0] =	vst.idx.add.s32.msk $0xffff, v1  }
0x1a7: {  	v5 =	vld [tilespmem:s22+$0x40]  }
0x1a8: {  	[tilespmem:v3+s2+$0x0] =	vst.idx.add.s32.msk $0xffff, v1  }
0x1a9: {  	v3 =	vld [tilespmem:s21+$0x420];
	_ =	sdelay $0x1  }
0x1aa: {  	[tilespmem:v4+s2+$0x0] =	vst.idx.add.s32.msk $0xffff, v1  }
0x1ab: {  	v4 =	vld [tilespmem:s22+$0xD0]  }
0x1ac: {  	[tilespmem:v2+s2+$0x0] =	vst.idx.add.s32.msk $0xffff, v1  }
0x1ad: {  	v2 =	vld [tilespmem:s21+$0x4B0]  }
0x1ae: {  	s24 =	simm.s32 $0x200;
	s25 =	simm.s32 $0x400;
	s23 =	simm.s32 $0x2;
	[tilespmem:v5+s2+$0x0] =	vst.idx.add.s32.msk $0xffff, v1  }
.LBB2_9:
0x1af: {  	s26 =	sand.u32 $0x1800, s25;
	s28 =	sand.u32 $0x300, s24;
	s23 =	sadd.s32 $0x2, s23;
	v5 =	vld [tilespmem:s22+$0x50]  }
0x1b0: {  	s28 =	sor.u32 s28, s26;
	p0 =	slt.u32 s23, $0x1E;
	[tilespmem:v3+s2+$0x0] =	vst.idx.add.s32.msk $0xffff, v1  }
0x1b1: {  	s26 =	sadd.s32 $0x1C800, s28;
	v3 =	vld [tilespmem:s28+$0x1C800]  }
0x1b2: {  	v6 =	vld [tilespmem:s26+$0x80]  }
0x1b3: {  	[tilespmem:v4+s2+$0x0] =	vst.idx.add.s32.msk $0xffff, v1  }
0x1b4: {  	v4 =	vld [tilespmem:s22+$0xE0]  }
0x1b5: {  	[tilespmem:v2+s2+$0x0] =	vst.idx.add.s32.msk $0xffff, v1  }
0x1b6: {  	v2 =	vld [tilespmem:s21+$0x4B8]  }
0x1b7: {  	[tilespmem:v5+s2+$0x0] =	vst.idx.add.s32.msk $0xffff, v1  }
0x1b8: {  	v5 =	vld [tilespmem:s22+$0x60]  }
0x1b9: {  	[tilespmem:v3+s2+$0x0] =	vst.idx.add.s32.msk $0xffff, v1  }
0x1ba: {  	[tilespmem:v6+s2+$0x0] =	vst.idx.add.s32.msk $0xffff, v1  }
0x1bb: {  	v3 =	vld [tilespmem:s26+$0x90]  }
0x1bc: {  	[tilespmem:v4+s2+$0x0] =	vst.idx.add.s32.msk $0xffff, v1  }
0x1bd: {  	v4 =	vld [tilespmem:s22+$0xF0]  }
0x1be: {  	[tilespmem:v2+s2+$0x0] =	vst.idx.add.s32.msk vm0, v1  }
0x1bf: {  	v2 =	vld [tilespmem:s26+$0x10]  }
0x1c0: {  	[tilespmem:v5+s2+$0x0] =	vst.idx.add.s32.msk $0xffff, v1  }
0x1c1: {  	v5 =	vld [tilespmem:s22+$0x70]  }
0x1c2: {  	v6 =	vld [tilespmem:s21+$0x430]  }
0x1c3: {  	[tilespmem:v3+s2+$0x0] =	vst.idx.add.s32.msk $0xffff, v1  }
0x1c4: {  	v3 =	vld [tilespmem:s26+$0xA0]  }
0x1c5: {  	[tilespmem:v4+s2+$0x0] =	vst.idx.add.s32.msk $0xffff, v1  }
0x1c6: {  	v4 =	vld [tilespmem:s22+$0x480]  }
0x1c7: {  	[tilespmem:v2+s2+$0x0] =	vst.idx.add.s32.msk $0xffff, v1  }
0x1c8: {  	v2 =	vld [tilespmem:s26+$0x20]  }
0x1c9: {  	[tilespmem:v5+s2+$0x0] =	vst.idx.add.s32.msk $0xffff, v1  }
0x1ca: {  	v5 =	vld [tilespmem:s22+$0x400]  }
0x1cb: {  	[tilespmem:v6+s2+$0x0] =	vst.idx.add.s32.msk $0xffff, v1  }
0x1cc: {  	[tilespmem:v3+s2+$0x0] =	vst.idx.add.s32.msk $0xffff, v1  }
0x1cd: {  	v3 =	vld [tilespmem:s26+$0xB0]  }
0x1ce: {  	[tilespmem:v4+s2+$0x0] =	vst.idx.add.s32.msk $0xffff, v1  }
0x1cf: {  	v4 =	vld [tilespmem:s22+$0x490]  }
0x1d0: {  	[tilespmem:v2+s2+$0x0] =	vst.idx.add.s32.msk $0xffff, v1  }
0x1d1: {  	v2 =	vld [tilespmem:s26+$0x30]  }
0x1d2: {  	[tilespmem:v5+s2+$0x0] =	vst.idx.add.s32.msk $0xffff, v1  }
0x1d3: {  	v5 =	vld [tilespmem:s22+$0x410]  }
0x1d4: {  	v6 =	vld [tilespmem:s21+$0x438];
	s21 =	smov.u32 s22;
	s22 =	smov.u32 s26  }
0x1d5: {  	[tilespmem:v3+s2+$0x0] =	vst.idx.add.s32.msk $0xffff, v1  }
0x1d6: {  	v7 =	vld [tilespmem:s22+$0xC0]  }
0x1d7: {  	[tilespmem:v4+s2+$0x0] =	vst.idx.add.s32.msk $0xffff, v1  }
0x1d8: {  	v8 =	vld [tilespmem:s21+$0x4A0]  }
0x1d9: {  	[tilespmem:v2+s2+$0x0] =	vst.idx.add.s32.msk $0xffff, v1  }
0x1da: {  	v9 =	vld [tilespmem:s22+$0x40]  }
0x1db: {  	[tilespmem:v5+s2+$0x0] =	vst.idx.add.s32.msk $0xffff, v1  }
0x1dc: {  	v3 =	vld [tilespmem:s21+$0x420]  }
0x1dd: {  	[tilespmem:v6+s2+$0x0] =	vst.idx.add.s32.msk vm0, v1  }
.Ltmp3:
0x1de: {  	[tilespmem:v7+s2+$0x0] =	vst.idx.add.s32.msk $0xffff, v1;
	(pc) =	sbr.rel @p0 .LBB2_9-.Ltmp3, $4  }
0x1df: {  	v4 =	vld [tilespmem:s22+$0xD0]  }
0x1e0: {  	[tilespmem:v8+s2+$0x0] =	vst.idx.add.s32.msk $0xffff, v1  }
0x1e1: {  	v2 =	vld [tilespmem:s21+$0x4B0]  }
0x1e2: {  	s24 =	sadd.s32 $0x100, s24;
	s25 =	sadd.s32 $0x200, s25;
	[tilespmem:v9+s2+$0x0] =	vst.idx.add.s32.msk $0xffff, v1  }
0x1e3: {  	v5 =	vld [tilespmem:s22+$0x50];
	_ =	sdelay $0x5  }
0x1e4: {  	[tilespmem:v4+s2+$0x0] =	vst.idx.add.s32.msk $0xffff, v1  }
0x1e5: {  	v4 =	vld [tilespmem:s22+$0xE0]  }
0x1e6: {  	[tilespmem:v5+s2+$0x0] =	vst.idx.add.s32.msk $0xffff, v1  }
0x1e7: {  	v5 =	vld [tilespmem:s22+$0x60];
	_ =	sdelay $0x5  }
0x1e8: {  	[tilespmem:v4+s2+$0x0] =	vst.idx.add.s32.msk $0xffff, v1  }
0x1e9: {  	v4 =	vld [tilespmem:s22+$0xF0]  }
0x1ea: {  	[tilespmem:v5+s2+$0x0] =	vst.idx.add.s32.msk $0xffff, v1  }
0x1eb: {  	v5 =	vld [tilespmem:s22+$0x70];
	_ =	sdelay $0x5  }
0x1ec: {  	[tilespmem:v4+s2+$0x0] =	vst.idx.add.s32.msk $0xffff, v1  }
0x1ed: {  	v4 =	vld [tilespmem:s22+$0x480]  }
0x1ee: {  	[tilespmem:v5+s2+$0x0] =	vst.idx.add.s32.msk $0xffff, v1  }
0x1ef: {  	v5 =	vld [tilespmem:s22+$0x400];
	_ =	sdelay $0x5  }
0x1f0: {  	[tilespmem:v4+s2+$0x0] =	vst.idx.add.s32.msk $0xffff, v1  }
0x1f1: {  	v4 =	vld [tilespmem:s22+$0x490]  }
0x1f2: {  	[tilespmem:v5+s2+$0x0] =	vst.idx.add.s32.msk $0xffff, v1  }
0x1f3: {  	v5 =	vld [tilespmem:s22+$0x410];
	_ =	sdelay $0x5  }
0x1f4: {  	[tilespmem:v4+s2+$0x0] =	vst.idx.add.s32.msk $0xffff, v1  }
0x1f5: {  	v4 =	vld [tilespmem:s22+$0x4A0]  }
0x1f6: {  	[tilespmem:v5+s2+$0x0] =	vst.idx.add.s32.msk $0xffff, v1  }
0x1f7: {  	v5 =	vld [tilespmem:s22+$0x420];
	_ =	sdelay $0x3  }
0x1f8: {  	[tilespmem:v3+s2+$0x0] =	vst.idx.add.s32.msk $0xffff, v1  }
0x1f9: {  	v3 =	vld [tilespmem:s21+$0x430]  }
0x1fa: {  	[tilespmem:v4+s2+$0x0] =	vst.idx.add.s32.msk $0xffff, v1  }
0x1fb: {  	v4 =	vld [tilespmem:s22+$0x4B0]  }
0x1fc: {  	[tilespmem:v5+s2+$0x0] =	vst.idx.add.s32.msk $0xffff, v1  }
0x1fd: {  	v5 =	vld [tilespmem:s22+$0x430];
	_ =	sdelay $0x1  }
0x1fe: {  	[tilespmem:v2+s2+$0x0] =	vst.idx.add.s32.msk $0xffff, v1  }
0x1ff: {  	v2 =	vld [tilespmem:s21+$0x4B8]  }
0x200: {  	[tilespmem:v3+s2+$0x0] =	vst.idx.add.s32.msk $0xffff, v1  }
0x201: {  	v3 =	vld [tilespmem:s21+$0x438]  }
0x202: {  	[tilespmem:v4+s2+$0x0] =	vst.idx.add.s32.msk $0xffff, v1  }
0x203: {  	v4 =	vld [tilespmem:s22+$0x4B8]  }
0x204: {  	[tilespmem:v5+s2+$0x0] =	vst.idx.add.s32.msk $0xffff, v1  }
0x205: {  	v5 =	vld [tilespmem:s22+$0x438];
	_ =	sdelay $0x1  }
0x206: {  	s20 =	sadd.s32 $0x1, s20  }
0x207: {  	p0 =	sne.s32 s20, $0x5  }
.Ltmp4:
0x208: {  	_ = 	snop;
	(pc) =	sbr.rel @p0 .LBB2_4-.Ltmp4, $4  }
0x209: {  	[tilespmem:v2+s2+$0x0] =	vst.idx.add.s32.msk vm0, v1  }
0x20a: {  	[tilespmem:v3+s2+$0x0] =	vst.idx.add.s32.msk vm0, v1  }
0x20b: {  	[tilespmem:v4+s2+$0x0] =	vst.idx.add.s32.msk vm0, v1  }
0x20c: {  	[tilespmem:v5+s2+$0x0] =	vst.idx.add.s32.msk vm0, v1  }
0x20d: {  	s19 =	simm.s32 $0x0  }
0x20e: {  	_ =	swait.ge [sflag:s14], $0x2000;
	s20 =	sand.u32 $0x1800, s19;
	s19 =	sand.u32 $0x300, s19  }
0x20f: {  	[sflag:s14] =	ssyncset.done $0x0;
	s20 =	sor.u32 s19, s20  }
0x210: {  	[sflag:s14] =	ssyncadd.s32 $0xFFFFE000;
	s19 =	sadd.s32 $0x18800, s20  }
0x211: {  	v2 =	vld [tilespmem:s19+$0x80];
	_ =	sdelay $0x3  }
0x212: {  	v3 =	vld [tilespmem:s20+$0x18800];
	_ =	sdelay $0x3  }
0x213: {  	[tilespmem:v2+s2+$0x0] =	vst.idx.add.s32.msk $0xffff, v1  }
0x214: {  	v2 =	vld [tilespmem:s19+$0x90];
	_ =	sdelay $0x2  }
0x215: {  	[tilespmem:v3+s2+$0x0] =	vst.idx.add.s32.msk $0xffff, v1  }
0x216: {  	v3 =	vld [tilespmem:s19+$0x10];
	_ =	sdelay $0x3  }
0x217: {  	[tilespmem:v2+s2+$0x0] =	vst.idx.add.s32.msk $0xffff, v1  }
0x218: {  	v2 =	vld [tilespmem:s19+$0xA0];
	_ =	sdelay $0x2  }
0x219: {  	[tilespmem:v3+s2+$0x0] =	vst.idx.add.s32.msk $0xffff, v1  }
0x21a: {  	v3 =	vld [tilespmem:s19+$0x20];
	_ =	sdelay $0x3  }
0x21b: {  	[tilespmem:v2+s2+$0x0] =	vst.idx.add.s32.msk $0xffff, v1  }
0x21c: {  	v2 =	vld [tilespmem:s19+$0xB0];
	_ =	sdelay $0x2  }
0x21d: {  	[tilespmem:v3+s2+$0x0] =	vst.idx.add.s32.msk $0xffff, v1  }
0x21e: {  	v3 =	vld [tilespmem:s19+$0x30];
	_ =	sdelay $0x3  }
0x21f: {  	[tilespmem:v2+s2+$0x0] =	vst.idx.add.s32.msk $0xffff, v1  }
0x220: {  	v2 =	vld [tilespmem:s19+$0xC0];
	_ =	sdelay $0x2  }
0x221: {  	[tilespmem:v3+s2+$0x0] =	vst.idx.add.s32.msk $0xffff, v1  }
0x222: {  	v3 =	vld [tilespmem:s19+$0x40];
	_ =	sdelay $0x3  }
0x223: {  	[tilespmem:v2+s2+$0x0] =	vst.idx.add.s32.msk $0xffff, v1  }
0x224: {  	v2 =	vld [tilespmem:s19+$0xD0];
	_ =	sdelay $0x2  }
0x225: {  	s31 =	simm.s32 $0x100;
	s21 =	simm.s32 $0x200;
	[tilespmem:v3+s2+$0x0] =	vst.idx.add.s32.msk $0xffff, v1  }
0x226: {  	s21 =	sand.u32 $0x1800, s21;
	s20 =	sand.u32 $0x300, s31;
	v3 =	vld [tilespmem:s19+$0x50]  }
0x227: {  	s21 =	sor.u32 s20, s21  }
0x228: {  	s20 =	sadd.s32 $0x18800, s21  }
0x229: {  	v4 =	vld [tilespmem:s20+$0x80]  }
0x22a: {  	[tilespmem:v2+s2+$0x0] =	vst.idx.add.s32.msk $0xffff, v1  }
0x22b: {  	v2 =	vld [tilespmem:s19+$0xE0];
	_ =	sdelay $0x1  }
0x22c: {  	v5 =	vld [tilespmem:s21+$0x18800]  }
0x22d: {  	[tilespmem:v3+s2+$0x0] =	vst.idx.add.s32.msk $0xffff, v1  }
0x22e: {  	v3 =	vld [tilespmem:s19+$0x60];
	_ =	sdelay $0x1  }
0x22f: {  	[tilespmem:v4+s2+$0x0] =	vst.idx.add.s32.msk $0xffff, v1  }
0x230: {  	v4 =	vld [tilespmem:s20+$0x90]  }
0x231: {  	[tilespmem:v2+s2+$0x0] =	vst.idx.add.s32.msk $0xffff, v1  }
0x232: {  	v2 =	vld [tilespmem:s19+$0xF0]  }
0x233: {  	[tilespmem:v5+s2+$0x0] =	vst.idx.add.s32.msk $0xffff, v1  }
0x234: {  	v5 =	vld [tilespmem:s20+$0x10]  }
0x235: {  	[tilespmem:v3+s2+$0x0] =	vst.idx.add.s32.msk $0xffff, v1  }
0x236: {  	v3 =	vld [tilespmem:s19+$0x70];
	_ =	sdelay $0x1  }
0x237: {  	[tilespmem:v4+s2+$0x0] =	vst.idx.add.s32.msk $0xffff, v1  }
0x238: {  	v4 =	vld [tilespmem:s20+$0xA0]  }
0x239: {  	[tilespmem:v2+s2+$0x0] =	vst.idx.add.s32.msk $0xffff, v1  }
0x23a: {  	v2 =	vld [tilespmem:s19+$0x480]  }
0x23b: {  	[tilespmem:v5+s2+$0x0] =	vst.idx.add.s32.msk $0xffff, v1  }
0x23c: {  	v5 =	vld [tilespmem:s20+$0x20]  }
0x23d: {  	[tilespmem:v3+s2+$0x0] =	vst.idx.add.s32.msk $0xffff, v1  }
0x23e: {  	v3 =	vld [tilespmem:s19+$0x400];
	_ =	sdelay $0x1  }
0x23f: {  	[tilespmem:v4+s2+$0x0] =	vst.idx.add.s32.msk $0xffff, v1  }
0x240: {  	v4 =	vld [tilespmem:s20+$0xB0]  }
0x241: {  	[tilespmem:v2+s2+$0x0] =	vst.idx.add.s32.msk $0xffff, v1  }
0x242: {  	v2 =	vld [tilespmem:s19+$0x490]  }
0x243: {  	[tilespmem:v5+s2+$0x0] =	vst.idx.add.s32.msk $0xffff, v1  }
0x244: {  	v5 =	vld [tilespmem:s20+$0x30]  }
0x245: {  	[tilespmem:v3+s2+$0x0] =	vst.idx.add.s32.msk $0xffff, v1  }
0x246: {  	v3 =	vld [tilespmem:s19+$0x410];
	_ =	sdelay $0x1  }
0x247: {  	[tilespmem:v4+s2+$0x0] =	vst.idx.add.s32.msk $0xffff, v1  }
0x248: {  	v4 =	vld [tilespmem:s20+$0xC0]  }
0x249: {  	[tilespmem:v2+s2+$0x0] =	vst.idx.add.s32.msk $0xffff, v1  }
0x24a: {  	v2 =	vld [tilespmem:s19+$0x4A0]  }
0x24b: {  	[tilespmem:v5+s2+$0x0] =	vst.idx.add.s32.msk $0xffff, v1  }
0x24c: {  	v5 =	vld [tilespmem:s20+$0x40]  }
0x24d: {  	[tilespmem:v3+s2+$0x0] =	vst.idx.add.s32.msk $0xffff, v1  }
0x24e: {  	v3 =	vld [tilespmem:s19+$0x420];
	_ =	sdelay $0x1  }
0x24f: {  	[tilespmem:v4+s2+$0x0] =	vst.idx.add.s32.msk $0xffff, v1  }
0x250: {  	v4 =	vld [tilespmem:s20+$0xD0]  }
0x251: {  	[tilespmem:v2+s2+$0x0] =	vst.idx.add.s32.msk $0xffff, v1  }
0x252: {  	v2 =	vld [tilespmem:s19+$0x4B0]  }
0x253: {  	s22 =	simm.s32 $0x200;
	s23 =	simm.s32 $0x400;
	s21 =	simm.s32 $0x2;
	[tilespmem:v5+s2+$0x0] =	vst.idx.add.s32.msk $0xffff, v1  }
.LBB2_12:
0x254: {  	s24 =	sand.u32 $0x1800, s23;
	s25 =	sand.u32 $0x300, s22;
	s21 =	sadd.s32 $0x2, s21;
	v5 =	vld [tilespmem:s20+$0x50]  }
0x255: {  	s25 =	sor.u32 s25, s24;
	p0 =	slt.u32 s21, $0x1E;
	[tilespmem:v3+s2+$0x0] =	vst.idx.add.s32.msk $0xffff, v1  }
0x256: {  	s24 =	sadd.s32 $0x18800, s25;
	v3 =	vld [tilespmem:s25+$0x18800]  }
0x257: {  	v6 =	vld [tilespmem:s24+$0x80]  }
0x258: {  	[tilespmem:v4+s2+$0x0] =	vst.idx.add.s32.msk $0xffff, v1  }
0x259: {  	v4 =	vld [tilespmem:s20+$0xE0]  }
0x25a: {  	[tilespmem:v2+s2+$0x0] =	vst.idx.add.s32.msk $0xffff, v1  }
0x25b: {  	v2 =	vld [tilespmem:s19+$0x4B8]  }
0x25c: {  	[tilespmem:v5+s2+$0x0] =	vst.idx.add.s32.msk $0xffff, v1  }
0x25d: {  	v5 =	vld [tilespmem:s20+$0x60]  }
0x25e: {  	[tilespmem:v3+s2+$0x0] =	vst.idx.add.s32.msk $0xffff, v1  }
0x25f: {  	[tilespmem:v6+s2+$0x0] =	vst.idx.add.s32.msk $0xffff, v1  }
0x260: {  	v3 =	vld [tilespmem:s24+$0x90]  }
0x261: {  	[tilespmem:v4+s2+$0x0] =	vst.idx.add.s32.msk $0xffff, v1  }
0x262: {  	v4 =	vld [tilespmem:s20+$0xF0]  }
0x263: {  	[tilespmem:v2+s2+$0x0] =	vst.idx.add.s32.msk vm0, v1  }
0x264: {  	v2 =	vld [tilespmem:s24+$0x10]  }
0x265: {  	[tilespmem:v5+s2+$0x0] =	vst.idx.add.s32.msk $0xffff, v1  }
0x266: {  	v5 =	vld [tilespmem:s20+$0x70]  }
0x267: {  	v6 =	vld [tilespmem:s19+$0x430]  }
0x268: {  	[tilespmem:v3+s2+$0x0] =	vst.idx.add.s32.msk $0xffff, v1  }
0x269: {  	v3 =	vld [tilespmem:s24+$0xA0]  }
0x26a: {  	[tilespmem:v4+s2+$0x0] =	vst.idx.add.s32.msk $0xffff, v1  }
0x26b: {  	v4 =	vld [tilespmem:s20+$0x480]  }
0x26c: {  	[tilespmem:v2+s2+$0x0] =	vst.idx.add.s32.msk $0xffff, v1  }
0x26d: {  	v2 =	vld [tilespmem:s24+$0x20]  }
0x26e: {  	[tilespmem:v5+s2+$0x0] =	vst.idx.add.s32.msk $0xffff, v1  }
0x26f: {  	v5 =	vld [tilespmem:s20+$0x400]  }
0x270: {  	[tilespmem:v6+s2+$0x0] =	vst.idx.add.s32.msk $0xffff, v1  }
0x271: {  	[tilespmem:v3+s2+$0x0] =	vst.idx.add.s32.msk $0xffff, v1  }
0x272: {  	v3 =	vld [tilespmem:s24+$0xB0]  }
0x273: {  	[tilespmem:v4+s2+$0x0] =	vst.idx.add.s32.msk $0xffff, v1  }
0x274: {  	v4 =	vld [tilespmem:s20+$0x490]  }
0x275: {  	[tilespmem:v2+s2+$0x0] =	vst.idx.add.s32.msk $0xffff, v1  }
0x276: {  	v2 =	vld [tilespmem:s24+$0x30]  }
0x277: {  	[tilespmem:v5+s2+$0x0] =	vst.idx.add.s32.msk $0xffff, v1  }
0x278: {  	v5 =	vld [tilespmem:s20+$0x410]  }
0x279: {  	v6 =	vld [tilespmem:s19+$0x438];
	s19 =	smov.u32 s20;
	s20 =	smov.u32 s24  }
0x27a: {  	[tilespmem:v3+s2+$0x0] =	vst.idx.add.s32.msk $0xffff, v1  }
0x27b: {  	v7 =	vld [tilespmem:s20+$0xC0]  }
0x27c: {  	[tilespmem:v4+s2+$0x0] =	vst.idx.add.s32.msk $0xffff, v1  }
0x27d: {  	v8 =	vld [tilespmem:s19+$0x4A0]  }
0x27e: {  	[tilespmem:v2+s2+$0x0] =	vst.idx.add.s32.msk $0xffff, v1  }
0x27f: {  	v9 =	vld [tilespmem:s20+$0x40]  }
0x280: {  	[tilespmem:v5+s2+$0x0] =	vst.idx.add.s32.msk $0xffff, v1  }
0x281: {  	v3 =	vld [tilespmem:s19+$0x420]  }
0x282: {  	[tilespmem:v6+s2+$0x0] =	vst.idx.add.s32.msk vm0, v1  }
.Ltmp5:
0x283: {  	[tilespmem:v7+s2+$0x0] =	vst.idx.add.s32.msk $0xffff, v1;
	(pc) =	sbr.rel @p0 .LBB2_12-.Ltmp5, $4  }
0x284: {  	v4 =	vld [tilespmem:s20+$0xD0]  }
0x285: {  	[tilespmem:v8+s2+$0x0] =	vst.idx.add.s32.msk $0xffff, v1  }
0x286: {  	v2 =	vld [tilespmem:s19+$0x4B0]  }
0x287: {  	s22 =	sadd.s32 $0x100, s22;
	s23 =	sadd.s32 $0x200, s23;
	[tilespmem:v9+s2+$0x0] =	vst.idx.add.s32.msk $0xffff, v1  }
0x288: {  	v5 =	vld [tilespmem:s20+$0x50];
	_ =	sdelay $0x5  }
0x289: {  	[tilespmem:v4+s2+$0x0] =	vst.idx.add.s32.msk $0xffff, v1  }
0x28a: {  	v4 =	vld [tilespmem:s20+$0xE0]  }
0x28b: {  	[tilespmem:v5+s2+$0x0] =	vst.idx.add.s32.msk $0xffff, v1  }
0x28c: {  	v5 =	vld [tilespmem:s20+$0x60];
	_ =	sdelay $0x5  }
0x28d: {  	[tilespmem:v4+s2+$0x0] =	vst.idx.add.s32.msk $0xffff, v1  }
0x28e: {  	v4 =	vld [tilespmem:s20+$0xF0]  }
0x28f: {  	[tilespmem:v5+s2+$0x0] =	vst.idx.add.s32.msk $0xffff, v1  }
0x290: {  	v5 =	vld [tilespmem:s20+$0x70];
	_ =	sdelay $0x5  }
0x291: {  	[tilespmem:v4+s2+$0x0] =	vst.idx.add.s32.msk $0xffff, v1  }
0x292: {  	v4 =	vld [tilespmem:s20+$0x480]  }
0x293: {  	[tilespmem:v5+s2+$0x0] =	vst.idx.add.s32.msk $0xffff, v1  }
0x294: {  	v5 =	vld [tilespmem:s20+$0x400];
	_ =	sdelay $0x5  }
0x295: {  	[tilespmem:v4+s2+$0x0] =	vst.idx.add.s32.msk $0xffff, v1  }
0x296: {  	v4 =	vld [tilespmem:s20+$0x490]  }
0x297: {  	[tilespmem:v5+s2+$0x0] =	vst.idx.add.s32.msk $0xffff, v1  }
0x298: {  	v5 =	vld [tilespmem:s20+$0x410];
	_ =	sdelay $0x5  }
0x299: {  	[tilespmem:v4+s2+$0x0] =	vst.idx.add.s32.msk $0xffff, v1  }
0x29a: {  	v4 =	vld [tilespmem:s20+$0x4A0]  }
0x29b: {  	[tilespmem:v5+s2+$0x0] =	vst.idx.add.s32.msk $0xffff, v1  }
0x29c: {  	v5 =	vld [tilespmem:s20+$0x420];
	_ =	sdelay $0x3  }
0x29d: {  	[tilespmem:v3+s2+$0x0] =	vst.idx.add.s32.msk $0xffff, v1  }
0x29e: {  	v3 =	vld [tilespmem:s19+$0x430]  }
0x29f: {  	[tilespmem:v4+s2+$0x0] =	vst.idx.add.s32.msk $0xffff, v1  }
0x2a0: {  	v4 =	vld [tilespmem:s20+$0x4B0]  }
0x2a1: {  	[tilespmem:v5+s2+$0x0] =	vst.idx.add.s32.msk $0xffff, v1  }
0x2a2: {  	v5 =	vld [tilespmem:s20+$0x430];
	_ =	sdelay $0x1  }
0x2a3: {  	[tilespmem:v2+s2+$0x0] =	vst.idx.add.s32.msk $0xffff, v1  }
0x2a4: {  	v2 =	vld [tilespmem:s19+$0x4B8]  }
0x2a5: {  	[tilespmem:v3+s2+$0x0] =	vst.idx.add.s32.msk $0xffff, v1  }
0x2a6: {  	v3 =	vld [tilespmem:s19+$0x438]  }
0x2a7: {  	[tilespmem:v4+s2+$0x0] =	vst.idx.add.s32.msk $0xffff, v1  }
0x2a8: {  	v4 =	vld [tilespmem:s20+$0x4B8]  }
0x2a9: {  	[tilespmem:v5+s2+$0x0] =	vst.idx.add.s32.msk $0xffff, v1  }
0x2aa: {  	v5 =	vld [tilespmem:s20+$0x438];
	_ =	sdelay $0x4  }
0x2ab: {  	[tilespmem:v2+s2+$0x0] =	vst.idx.add.s32.msk vm0, v1  }
0x2ac: {  	s18 =	sadd.s32 $0x1, s18;
	[tilespmem:v3+s2+$0x0] =	vst.idx.add.s32.msk vm0, v1  }
0x2ad: {  	p0 =	sne.s32 s18, s10;
	[tilespmem:v4+s2+$0x0] =	vst.idx.add.s32.msk vm0, v1  }
.Ltmp6:
0x2ae: {  	[tilespmem:v5+s2+$0x0] =	vst.idx.add.s32.msk vm0, v1;
	(pc) =	sbr.rel @p0 .LBB2_1-.Ltmp6, $4  }
0x2af: {  	[hbm4b:s9+s2] =	stream.linear.scatter [tilespmem:s2], [sflag:$0x4], $0x18800, $0x38;
	[tilespmem:$0x1E800] =	vst v63  }
0x2b0: {  	_ =	swait.ge [sflag:s17], $0x18800  }
0x2b1: {  	[sflag:s17] =	ssyncset.done $0x0  }
0x2b2: {  	[sflag:s17] =	ssyncadd.s32 $0xFFFE7800  }
0x2b3: {  	_ =	sfence.sel $0x180000  }
0x2b4: {  	[bflag:$0x0] =	sbarrier.arrive $0xFFFF  }
0x2b5: {  	p0 =	sne.s32 s0, $0x0;
	_ =	strace $0x90000047  }
0x2b6: {  	s0 =	sadd.s32 @!p0 $0x100000, s1;
	[bflag:$0x2] =	sbarrier.arrive $0xFFFF  }
0x2b7: {  	[sflag:s0] =	ssyncadd.tile.s32 @!p0 $0x1;
	_ =	shalt  }
.Lfunc_end2:
_tile_overlayer_lowered:
.L_overlay_start_2:
0x2b8: {  	(tag) =	ssettag $0x2  }
0x2b9: {  	s0 =	rddreg [dreg:$0x0];
	s2 =	stileid.u32  }
0x2ba: {  	s1 =	rddreg [dreg:$0x1];
	p0 =	sne.s32 s2, $0x0  }
0x2bb: {  	s3 =	rddreg [dreg:$0x2];
	[bflag:$0x3] =	sbarrier.arrive $0xFFFF;
	s2 =	simm.s32 @!p0 $0x1C04  }
0x2bc: {  	[timem:s3], [sflag:s2] =	dma.local @!p0 [hbm:s0], s1  }
0x2bd: {  	s0 =	simm.s32 @!p0 $0x4  }
0x2be: {  	_ =	swait.ge @!p0 [sflag:s0], s1  }
0x2bf: {  	s1 =	ssub.s32 @!p0 $0x0, s1;
	[sflag:s0] =	ssyncset.done @!p0 $0x0  }
0x2c0: {  	[sflag:s0] =	ssyncadd.s32 @!p0 s1  }
0x2c1: {  	[bflag:$0x3] =	sbarrier.arrive $0xFFFF  }
0x2c2: {  	_ =	shalt  }

</sc_bundles>
